<compile_context>
chip_gen: v7x
topology: tpu7x:2x2x1
jax: 0.10.2.dev20260603
libtpu: 0.0.44.dev20260713+nightly
codegen_flags: <defaults>
</compile_context>

<pallas_src>
import jax
import jax.numpy as jnp
from jax import lax
from jax.experimental import pallas as pl
from jax.experimental.pallas import tpu as pltpu
from jax.experimental.pallas import tpu_sc as plsc

D_MODEL = 64
D_VOCAB = 100000
BATCH = 4096
POS = 200

B_TOTAL = BATCH * POS
NW = 32
B_PER_W = B_TOTAL // NW
CHUNK = 128
N_CHUNK = B_PER_W // CHUNK

_TBLK = 4096


def _table_body(w_ref, out_ref):
    t = w_ref[...].T.reshape(_TBLK // 2, 2, D_MODEL)
    out_ref[...] = jnp.concatenate([t[:, 0, :], t[:, 1, :]], axis=1)


def _build_table(W_E):
    return pl.pallas_call(
        _table_body,
        grid=(pl.cdiv(D_VOCAB, _TBLK),),
        in_specs=[pl.BlockSpec((D_MODEL, _TBLK), lambda i: (0, i))],
        out_specs=pl.BlockSpec((_TBLK // 2, 2 * D_MODEL), lambda i: (i, 0)),
        out_shape=jax.ShapeDtypeStruct((D_VOCAB // 2, 2 * D_MODEL), jnp.float32),
    )(W_E)


_HALF = B_TOTAL // 2
_RBLK = 4096


def _repack_body(in_ref, out_ref):
    x = in_ref[...]
    out_ref[0] = x[:, :D_MODEL]
    out_ref[1] = x[:, D_MODEL:]


def _repack(packed):
    return pl.pallas_call(
        _repack_body,
        grid=(_HALF // _RBLK,),
        in_specs=[pl.BlockSpec((_RBLK, 2 * D_MODEL), lambda i: (i, 0))],
        out_specs=pl.BlockSpec((2, _RBLK, D_MODEL), lambda i: (0, i, 0)),
        out_shape=jax.ShapeDtypeStruct((2, _HALF, D_MODEL), jnp.float32),
    )(packed)


K = 4
NG = N_CHUNK // K
NC_H = N_CHUNK // 2
P_PER_W = (B_TOTAL // 2) // NW
G_ROWS = 2 * CHUNK


def _gather_body(idx_hbm, table_hbm, out_hbm, idx_v, buf_a, buf_b,
                 gsem_a, gsem_b, wsem_a, wsem_b):
    wid = lax.axis_index("s") * 2 + lax.axis_index("c")
    l_base = wid * NC_H
    r_base = 3200 + wid * NC_H
    out_base = wid * P_PER_W

    pltpu.sync_copy(idx_hbm.at[pl.ds(l_base, NC_H)], idx_v.at[pl.ds(0, NC_H)])
    pltpu.sync_copy(idx_hbm.at[pl.ds(r_base, NC_H)],
                    idx_v.at[pl.ds(NC_H, NC_H)])

    bufs = (buf_a, buf_b)
    gsems = (gsem_a, gsem_b)
    wsems = (wsem_a, wsem_b)

    def transfers(g, b):
        for j in range(K):
            half, sub = divmod(j, 2)
            yield (
                table_hbm.at[idx_v.at[half * NC_H + 2 * g + sub]],
                bufs[b].at[pl.ds(j * CHUNK, CHUNK)],
                gsems[b],
            )

    def fire(g, b):
        for src, dst, sem in transfers(g, b):
            pltpu.async_copy(src, dst, sem)

    def drain(g, b):
        for src, dst, sem in transfers(g, b):
            pltpu.make_async_copy(src, dst, sem).wait()

    def half_writes(g, b):
        for half in range(2):
            yield (
                bufs[b].at[pl.ds(half * G_ROWS, G_ROWS)],
                out_hbm.at[pl.ds(out_base + g * G_ROWS, G_ROWS),
                           pl.ds(half * D_MODEL, D_MODEL)],
                wsems[b],
            )

    def write(g, b):
        for src, dst, sem in half_writes(g, b):
            pltpu.async_copy(src, dst, sem)

    def wait_write(g, b):
        for src, dst, sem in half_writes(g, b):
            pltpu.make_async_copy(src, dst, sem).wait()

    fire(0, 0)

    def body(i, carry):
        g0 = 2 * i
        g1 = g0 + 1

        @pl.when(i > 0)
        def _():
            wait_write(g1 - 2, 1)
        fire(g1, 1)

        drain(g0, 0)
        write(g0, 0)

        @pl.when(i < NG // 2 - 1)
        def _():
            wait_write(g0, 0)
            fire(g0 + 2, 0)

        drain(g1, 1)
        write(g1, 1)
        return carry

    lax.fori_loop(0, NG // 2, body, 0)
    wait_write(NG - 2, 0)
    wait_write(NG - 1, 1)


@jax.jit
def _embed(x, W_E):
    table = _build_table(W_E).reshape(D_VOCAB, D_MODEL)
    idx = x.reshape(B_TOTAL // CHUNK, CHUNK).astype(jnp.int32)

    mesh = plsc.VectorSubcoreMesh(core_axis_name="c", subcore_axis_name="s")
    out = pl.kernel(
        _gather_body,
        mesh=mesh,
        out_type=jax.ShapeDtypeStruct((_HALF, 2 * D_MODEL), jnp.float32),
        scratch_types=[
            pltpu.VMEM((N_CHUNK, CHUNK), jnp.int32),
            pltpu.VMEM((K * CHUNK, D_MODEL), jnp.float32),
            pltpu.VMEM((K * CHUNK, D_MODEL), jnp.float32),
            pltpu.SemaphoreType.DMA,
            pltpu.SemaphoreType.DMA,
            pltpu.SemaphoreType.DMA,
            pltpu.SemaphoreType.DMA,
        ],
        compiler_params=pltpu.CompilerParams(use_tc_tiling_on_sc=False),
    )(idx, table)
    return _repack(out).reshape(BATCH, POS, D_MODEL)



def kernel(x, W_E):
    return _embed(x, W_E)

# --- scband reference (transcript-rebuilt; emitter-appended) ---
"""Pipeline reference for scband-embed-21809843929804 (READ-ONLY COPY).

The authoritative reference and input builder live on the scoring server;
editing this copy changes nothing except your own understanding.
"""

import jax, jax.numpy as jnp
import numpy as np

D_MODEL = 64
D_VOCAB = 100000
BATCH = 4096
POS = 200


def setup_inputs(seed: int = 0) -> dict:
    key = jax.random.key(seed)
    k1, k2 = jax.random.split(key)
    x = jax.random.randint(k1, (BATCH, POS), 0, D_VOCAB, dtype=jnp.int64 if jax.config.jax_enable_x64 else jnp.int32)
    W_E = jax.random.normal(k2, (D_MODEL, D_VOCAB), dtype=jnp.float32) / np.sqrt(D_MODEL)
    return {"x": x, "W_E": W_E}


def reference(x, W_E):
    # torch.einsum('dbp -> bpd', W_E[:, x])
    # W_E[:, x] gathers columns -> shape (d_model, batch, pos)
    gathered = jnp.take(W_E, x, axis=1)  # (d_model, batch, pos)
    return jnp.transpose(gathered, (1, 2, 0))  # (batch, pos, d_model)

if __name__ == "__main__":
    import jax
    _d = setup_inputs()
    print(jax.jit(kernel)(*tuple(_d.values())))

</pallas_src>

<mosaic_0001>
#map = affine_map<(d0, d1) -> (0, 0)>
module attributes {stable_mosaic.version = 14 : i64} {
  func.func @_gather_body(%arg0: i32, %arg1: i32, %arg2: memref<6400x128xi32, #tpu.memory_space<hbm>>, %arg3: memref<100000x64xf32, #tpu.memory_space<hbm>>, %arg4: memref<409600x128xf32, #tpu.memory_space<hbm>>, %arg5: memref<200x128xi32, #tpu.memory_space<vmem>>, %arg6: memref<512x64xf32, #tpu.memory_space<vmem>>, %arg7: memref<512x64xf32, #tpu.memory_space<vmem>>, %arg8: memref<!tpu.dma_semaphore, #tpu.memory_space<semaphore_mem>>, %arg9: memref<!tpu.dma_semaphore, #tpu.memory_space<semaphore_mem>>, %arg10: memref<!tpu.dma_semaphore, #tpu.memory_space<semaphore_mem>>, %arg11: memref<!tpu.dma_semaphore, #tpu.memory_space<semaphore_mem>>) attributes {dimension_semantics = [#tpu.dimension_semantics<core_parallel>, #tpu.dimension_semantics<subcore_parallel>], iteration_bounds = array<i64: 2, 16>, scalar_prefetch = 0 : i64, scratch_operands = 7 : i64, tpu.core_type = #tpu.core_type<sc_vector_subcore>, window_params = [{transform_indices = #map}, {transform_indices = #map}, {transform_indices = #map}]} {
    %mul3A = arith.constant 2 : i32
    %mul3A_0 = arith.muli %arg1, %mul3A : i32
    %add3A = arith.addi %mul3A_0, %arg0 : i32
    %mul3A_1 = arith.constant 100 : i32
    %mul3A_2 = arith.muli %add3A, %mul3A_1 : i32
    %mul3A_3 = arith.constant 100 : i32
    %mul3A_4 = arith.muli %add3A, %mul3A_3 : i32
    %add3A_5 = arith.constant 3200 : i32
    %add3A_6 = arith.addi %add3A_5, %mul3A_4 : i32
    %mul3A_7 = arith.constant 12800 : i32
    %mul3A_8 = arith.muli %add3A, %mul3A_7 : i32
    "tpu.region"() ({
      %run_scoped3A = tpu.sem_alloc : memref<!tpu.dma_semaphore, #tpu.memory_space<semaphore_mem>>
      %dma_start3A_100 = arith.constant 0 : i32
      %dma_start3A_101 = arith.constant 0 : i32
      %dma_start3A_102 = tpu.memref_slice %arg5[%dma_start3A_100, %dma_start3A_101] : memref<200x128xi32, #tpu.memory_space<vmem>> -> memref<100x128xi32, #tpu.memory_space<vmem>>
      %dma_start3A_103 = arith.constant 0 : i32
      %dma_start3A_104 = tpu.memref_slice %arg2[%mul3A_2, %dma_start3A_103] : memref<6400x128xi32, #tpu.memory_space<hbm>> -> memref<100x128xi32, #tpu.memory_space<hbm>>
      %dma_start3A_105 = arith.constant 0 : i32
      %dma_start3A_106 = arith.constant 0 : i32
      %dma_start3A_107 = tpu.memref_slice %arg5[%dma_start3A_105, %dma_start3A_106] : memref<200x128xi32, #tpu.memory_space<vmem>> -> memref<100x128xi32, #tpu.memory_space<vmem>>
      %dma_start3A_108 = arith.constant 0 : i32
      %dma_start3A_109 = tpu.memref_slice %arg2[%mul3A_2, %dma_start3A_108] : memref<6400x128xi32, #tpu.memory_space<hbm>> -> memref<100x128xi32, #tpu.memory_space<hbm>>
      tpu.enqueue_dma source(%dma_start3A_109 : memref<100x128xi32, #tpu.memory_space<hbm>>) target(%dma_start3A_107 : memref<100x128xi32, #tpu.memory_space<vmem>>) target_semaphore(%run_scoped3A : memref<!tpu.dma_semaphore, #tpu.memory_space<semaphore_mem>>)
      %dma_wait3A_110 = arith.constant 0 : i32
      %dma_wait3A_111 = arith.constant 0 : i32
      %dma_wait3A_112 = tpu.memref_slice %arg5[%dma_wait3A_110, %dma_wait3A_111] : memref<200x128xi32, #tpu.memory_space<vmem>> -> memref<100x128xi32, #tpu.memory_space<vmem>>
      %dma_wait3A_113 = arith.constant 0 : i32
      %dma_wait3A_114 = tpu.memref_slice %arg2[%mul3A_2, %dma_wait3A_113] : memref<6400x128xi32, #tpu.memory_space<hbm>> -> memref<100x128xi32, #tpu.memory_space<hbm>>
      %dma_wait3A_115 = arith.constant 0 : i32
      %dma_wait3A_116 = arith.constant 0 : i32
      %dma_wait3A_117 = tpu.memref_slice %arg5[%dma_wait3A_115, %dma_wait3A_116] : memref<200x128xi32, #tpu.memory_space<vmem>> -> memref<100x128xi32, #tpu.memory_space<vmem>>
      %dma_wait3A_118 = arith.constant 0 : i32
      %dma_wait3A_119 = tpu.memref_slice %arg2[%mul3A_2, %dma_wait3A_118] : memref<6400x128xi32, #tpu.memory_space<hbm>> -> memref<100x128xi32, #tpu.memory_space<hbm>>
      tpu.wait_dma2 semaphore(%run_scoped3A : memref<!tpu.dma_semaphore, #tpu.memory_space<semaphore_mem>>) src(%dma_wait3A_119 : memref<100x128xi32, #tpu.memory_space<hbm>>) dst(%dma_wait3A_117 : memref<100x128xi32, #tpu.memory_space<vmem>>)
      tpu.yield
    }) : () -> ()
    "tpu.region"() ({
      %run_scoped3A = tpu.sem_alloc : memref<!tpu.dma_semaphore, #tpu.memory_space<semaphore_mem>>
      %dma_start3A_100 = arith.constant 100 : i32
      %dma_start3A_101 = arith.constant 0 : i32
      %dma_start3A_102 = tpu.memref_slice %arg5[%dma_start3A_100, %dma_start3A_101] : memref<200x128xi32, #tpu.memory_space<vmem>> -> memref<100x128xi32, #tpu.memory_space<vmem>>
      %dma_start3A_103 = arith.constant 0 : i32
      %dma_start3A_104 = tpu.memref_slice %arg2[%add3A_6, %dma_start3A_103] : memref<6400x128xi32, #tpu.memory_space<hbm>> -> memref<100x128xi32, #tpu.memory_space<hbm>>
      %dma_start3A_105 = arith.constant 100 : i32
      %dma_start3A_106 = arith.constant 0 : i32
      %dma_start3A_107 = tpu.memref_slice %arg5[%dma_start3A_105, %dma_start3A_106] : memref<200x128xi32, #tpu.memory_space<vmem>> -> memref<100x128xi32, #tpu.memory_space<vmem>>
      %dma_start3A_108 = arith.constant 0 : i32
      %dma_start3A_109 = tpu.memref_slice %arg2[%add3A_6, %dma_start3A_108] : memref<6400x128xi32, #tpu.memory_space<hbm>> -> memref<100x128xi32, #tpu.memory_space<hbm>>
      tpu.enqueue_dma source(%dma_start3A_109 : memref<100x128xi32, #tpu.memory_space<hbm>>) target(%dma_start3A_107 : memref<100x128xi32, #tpu.memory_space<vmem>>) target_semaphore(%run_scoped3A : memref<!tpu.dma_semaphore, #tpu.memory_space<semaphore_mem>>)
      %dma_wait3A_110 = arith.constant 100 : i32
      %dma_wait3A_111 = arith.constant 0 : i32
      %dma_wait3A_112 = tpu.memref_slice %arg5[%dma_wait3A_110, %dma_wait3A_111] : memref<200x128xi32, #tpu.memory_space<vmem>> -> memref<100x128xi32, #tpu.memory_space<vmem>>
      %dma_wait3A_113 = arith.constant 0 : i32
      %dma_wait3A_114 = tpu.memref_slice %arg2[%add3A_6, %dma_wait3A_113] : memref<6400x128xi32, #tpu.memory_space<hbm>> -> memref<100x128xi32, #tpu.memory_space<hbm>>
      %dma_wait3A_115 = arith.constant 100 : i32
      %dma_wait3A_116 = arith.constant 0 : i32
      %dma_wait3A_117 = tpu.memref_slice %arg5[%dma_wait3A_115, %dma_wait3A_116] : memref<200x128xi32, #tpu.memory_space<vmem>> -> memref<100x128xi32, #tpu.memory_space<vmem>>
      %dma_wait3A_118 = arith.constant 0 : i32
      %dma_wait3A_119 = tpu.memref_slice %arg2[%add3A_6, %dma_wait3A_118] : memref<6400x128xi32, #tpu.memory_space<hbm>> -> memref<100x128xi32, #tpu.memory_space<hbm>>
      tpu.wait_dma2 semaphore(%run_scoped3A : memref<!tpu.dma_semaphore, #tpu.memory_space<semaphore_mem>>) src(%dma_wait3A_119 : memref<100x128xi32, #tpu.memory_space<hbm>>) dst(%dma_wait3A_117 : memref<100x128xi32, #tpu.memory_space<vmem>>)
      tpu.yield
    }) : () -> ()
    %dma_start3A = arith.constant 0 : i32
    %dma_start3A_9 = arith.constant 0 : i32
    %dma_start3A_10 = arith.constant 0 : i32
    %dma_start3A_11 = tpu.memref_slice %arg6[%dma_start3A_9, %dma_start3A_10] : memref<512x64xf32, #tpu.memory_space<vmem>> -> memref<128x64xf32, #tpu.memory_space<vmem>>
    %dma_start3A_12 = arith.constant 0 : i32
    %dma_start3A_13 = tpu.memref_slice %arg5[%dma_start3A, %dma_start3A_12] : memref<200x128xi32, #tpu.memory_space<vmem>> -> memref<1x128xi32, #tpu.memory_space<vmem>>
    %dma_start3A_14 = tpu.memref_squeeze %dma_start3A_13 : memref<1x128xi32, #tpu.memory_space<vmem>> -> memref<128xi32, #tpu.memory_space<vmem>>
    %dma_start3A_15 = arith.constant 0 : i32
    %dma_start3A_16 = arith.constant 0 : i32
    %dma_start3A_17 = tpu.memref_slice %arg3[%dma_start3A_15, %dma_start3A_16] : memref<100000x64xf32, #tpu.memory_space<hbm>> -> memref<100000x64xf32, #tpu.memory_space<hbm>>
    tpu.enqueue_indirect_dma source(%dma_start3A_17 : memref<100000x64xf32, #tpu.memory_space<hbm>>) target(%dma_start3A_11 : memref<128x64xf32, #tpu.memory_space<vmem>>) offsets(%dma_start3A_14 : memref<128xi32, #tpu.memory_space<vmem>>) semaphore(%arg8 : memref<!tpu.dma_semaphore, #tpu.memory_space<semaphore_mem>>)
    %dma_start3A_18 = arith.constant 1 : i32
    %dma_start3A_19 = arith.constant 128 : i32
    %dma_start3A_20 = arith.constant 0 : i32
    %dma_start3A_21 = tpu.memref_slice %arg6[%dma_start3A_19, %dma_start3A_20] : memref<512x64xf32, #tpu.memory_space<vmem>> -> memref<128x64xf32, #tpu.memory_space<vmem>>
    %dma_start3A_22 = arith.constant 0 : i32
    %dma_start3A_23 = tpu.memref_slice %arg5[%dma_start3A_18, %dma_start3A_22] : memref<200x128xi32, #tpu.memory_space<vmem>> -> memref<1x128xi32, #tpu.memory_space<vmem>>
    %dma_start3A_24 = tpu.memref_squeeze %dma_start3A_23 : memref<1x128xi32, #tpu.memory_space<vmem>> -> memref<128xi32, #tpu.memory_space<vmem>>
    %dma_start3A_25 = arith.constant 0 : i32
    %dma_start3A_26 = arith.constant 0 : i32
    %dma_start3A_27 = tpu.memref_slice %arg3[%dma_start3A_25, %dma_start3A_26] : memref<100000x64xf32, #tpu.memory_space<hbm>> -> memref<100000x64xf32, #tpu.memory_space<hbm>>
    tpu.enqueue_indirect_dma source(%dma_start3A_27 : memref<100000x64xf32, #tpu.memory_space<hbm>>) target(%dma_start3A_21 : memref<128x64xf32, #tpu.memory_space<vmem>>) offsets(%dma_start3A_24 : memref<128xi32, #tpu.memory_space<vmem>>) semaphore(%arg8 : memref<!tpu.dma_semaphore, #tpu.memory_space<semaphore_mem>>)
    %dma_start3A_28 = arith.constant 100 : i32
    %dma_start3A_29 = arith.constant 256 : i32
    %dma_start3A_30 = arith.constant 0 : i32
    %dma_start3A_31 = tpu.memref_slice %arg6[%dma_start3A_29, %dma_start3A_30] : memref<512x64xf32, #tpu.memory_space<vmem>> -> memref<128x64xf32, #tpu.memory_space<vmem>>
    %dma_start3A_32 = arith.constant 0 : i32
    %dma_start3A_33 = tpu.memref_slice %arg5[%dma_start3A_28, %dma_start3A_32] : memref<200x128xi32, #tpu.memory_space<vmem>> -> memref<1x128xi32, #tpu.memory_space<vmem>>
    %dma_start3A_34 = tpu.memref_squeeze %dma_start3A_33 : memref<1x128xi32, #tpu.memory_space<vmem>> -> memref<128xi32, #tpu.memory_space<vmem>>
    %dma_start3A_35 = arith.constant 0 : i32
    %dma_start3A_36 = arith.constant 0 : i32
    %dma_start3A_37 = tpu.memref_slice %arg3[%dma_start3A_35, %dma_start3A_36] : memref<100000x64xf32, #tpu.memory_space<hbm>> -> memref<100000x64xf32, #tpu.memory_space<hbm>>
    tpu.enqueue_indirect_dma source(%dma_start3A_37 : memref<100000x64xf32, #tpu.memory_space<hbm>>) target(%dma_start3A_31 : memref<128x64xf32, #tpu.memory_space<vmem>>) offsets(%dma_start3A_34 : memref<128xi32, #tpu.memory_space<vmem>>) semaphore(%arg8 : memref<!tpu.dma_semaphore, #tpu.memory_space<semaphore_mem>>)
    %dma_start3A_38 = arith.constant 101 : i32
    %dma_start3A_39 = arith.constant 384 : i32
    %dma_start3A_40 = arith.constant 0 : i32
    %dma_start3A_41 = tpu.memref_slice %arg6[%dma_start3A_39, %dma_start3A_40] : memref<512x64xf32, #tpu.memory_space<vmem>> -> memref<128x64xf32, #tpu.memory_space<vmem>>
    %dma_start3A_42 = arith.constant 0 : i32
    %dma_start3A_43 = tpu.memref_slice %arg5[%dma_start3A_38, %dma_start3A_42] : memref<200x128xi32, #tpu.memory_space<vmem>> -> memref<1x128xi32, #tpu.memory_space<vmem>>
    %dma_start3A_44 = tpu.memref_squeeze %dma_start3A_43 : memref<1x128xi32, #tpu.memory_space<vmem>> -> memref<128xi32, #tpu.memory_space<vmem>>
    %dma_start3A_45 = arith.constant 0 : i32
    %dma_start3A_46 = arith.constant 0 : i32
    %dma_start3A_47 = tpu.memref_slice %arg3[%dma_start3A_45, %dma_start3A_46] : memref<100000x64xf32, #tpu.memory_space<hbm>> -> memref<100000x64xf32, #tpu.memory_space<hbm>>
    tpu.enqueue_indirect_dma source(%dma_start3A_47 : memref<100000x64xf32, #tpu.memory_space<hbm>>) target(%dma_start3A_41 : memref<128x64xf32, #tpu.memory_space<vmem>>) offsets(%dma_start3A_44 : memref<128xi32, #tpu.memory_space<vmem>>) semaphore(%arg8 : memref<!tpu.dma_semaphore, #tpu.memory_space<semaphore_mem>>)
    %scan3A = arith.constant 0 : i32
    %scan3A_48 = arith.constant 0 : i32
    %scan3A_49 = arith.constant 25 : i32
    %scan3A_50 = arith.addi %scan3A_48, %scan3A_49 : i32
    %scan3A_51 = arith.constant 1 : i32
    scf.for %scan3A_100 = %scan3A_48 to %scan3A_50 step %scan3A_51  : i32 {
      %mul3A_101 = arith.constant 2 : i32
      %mul3A_102 = arith.muli %mul3A_101, %scan3A_100 : i32
      %add3A_103 = arith.constant 1 : i32
      %add3A_104 = arith.addi %mul3A_102, %add3A_103 : i32
      %gt3A = arith.constant 0 : i32
      %gt3A_105 = arith.cmpi sgt, %scan3A_100, %gt3A : i32
      %convert_element_type3A = arith.extui %gt3A_105 : i1 to i32
      %cond3A = arith.constant 0 : i32
      %cond3A_106 = arith.cmpi ne, %convert_element_type3A, %cond3A : i32
      scf.if %cond3A_106 {
        %sub3A = arith.constant 2 : i32
        %sub3A_343 = arith.subi %add3A_104, %sub3A : i32
        %mul3A_344 = arith.constant 256 : i32
        %mul3A_345 = arith.muli %sub3A_343, %mul3A_344 : i32
        %add3A_346 = arith.addi %mul3A_8, %mul3A_345 : i32
        %dma_wait3A_347 = arith.constant 0 : i32
        %dma_wait3A_348 = arith.constant 0 : i32
        %dma_wait3A_349 = tpu.memref_slice %arg7[%dma_wait3A_347, %dma_wait3A_348] : memref<512x64xf32, #tpu.memory_space<vmem>> -> memref<256x64xf32, #tpu.memory_space<vmem>>
        %dma_wait3A_350 = arith.constant 0 : i32
        %dma_wait3A_351 = tpu.memref_slice %arg4[%add3A_346, %dma_wait3A_350] : memref<409600x128xf32, #tpu.memory_space<hbm>> -> memref<256x64xf32, #tpu.memory_space<hbm>>
        %dma_wait3A_352 = arith.constant 0 : i32
        %dma_wait3A_353 = tpu.memref_slice %arg4[%add3A_346, %dma_wait3A_352] : memref<409600x128xf32, #tpu.memory_space<hbm>> -> memref<256x64xf32, #tpu.memory_space<hbm>>
        %dma_wait3A_354 = arith.constant 0 : i32
        %dma_wait3A_355 = arith.constant 0 : i32
        %dma_wait3A_356 = tpu.memref_slice %arg7[%dma_wait3A_354, %dma_wait3A_355] : memref<512x64xf32, #tpu.memory_space<vmem>> -> memref<256x64xf32, #tpu.memory_space<vmem>>
        tpu.wait_dma2 semaphore(%arg11 : memref<!tpu.dma_semaphore, #tpu.memory_space<semaphore_mem>>) src(%dma_wait3A_356 : memref<256x64xf32, #tpu.memory_space<vmem>>) dst(%dma_wait3A_353 : memref<256x64xf32, #tpu.memory_space<hbm>>)
        %mul3A_357 = arith.constant 256 : i32
        %mul3A_358 = arith.muli %sub3A_343, %mul3A_357 : i32
        %add3A_359 = arith.addi %mul3A_8, %mul3A_358 : i32
        %dma_wait3A_360 = arith.constant 256 : i32
        %dma_wait3A_361 = arith.constant 0 : i32
        %dma_wait3A_362 = tpu.memref_slice %arg7[%dma_wait3A_360, %dma_wait3A_361] : memref<512x64xf32, #tpu.memory_space<vmem>> -> memref<256x64xf32, #tpu.memory_space<vmem>>
        %dma_wait3A_363 = arith.constant 64 : i32
        %dma_wait3A_364 = tpu.memref_slice %arg4[%add3A_359, %dma_wait3A_363] : memref<409600x128xf32, #tpu.memory_space<hbm>> -> memref<256x64xf32, #tpu.memory_space<hbm>>
        %dma_wait3A_365 = arith.constant 64 : i32
        %dma_wait3A_366 = tpu.memref_slice %arg4[%add3A_359, %dma_wait3A_365] : memref<409600x128xf32, #tpu.memory_space<hbm>> -> memref<256x64xf32, #tpu.memory_space<hbm>>
        %dma_wait3A_367 = arith.constant 256 : i32
        %dma_wait3A_368 = arith.constant 0 : i32
        %dma_wait3A_369 = tpu.memref_slice %arg7[%dma_wait3A_367, %dma_wait3A_368] : memref<512x64xf32, #tpu.memory_space<vmem>> -> memref<256x64xf32, #tpu.memory_space<vmem>>
        tpu.wait_dma2 semaphore(%arg11 : memref<!tpu.dma_semaphore, #tpu.memory_space<semaphore_mem>>) src(%dma_wait3A_369 : memref<256x64xf32, #tpu.memory_space<vmem>>) dst(%dma_wait3A_366 : memref<256x64xf32, #tpu.memory_space<hbm>>)
      } else {
      }
      %mul3A_107 = arith.constant 2 : i32
      %mul3A_108 = arith.muli %mul3A_107, %add3A_104 : i32
      %add3A_109 = arith.constant 0 : i32
      %add3A_110 = arith.addi %add3A_109, %mul3A_108 : i32
      %add3A_111 = arith.constant 0 : i32
      %add3A_112 = arith.addi %add3A_110, %add3A_111 : i32
      %dma_start3A_113 = arith.constant 0 : i32
      %dma_start3A_114 = arith.constant 0 : i32
      %dma_start3A_115 = tpu.memref_slice %arg7[%dma_start3A_113, %dma_start3A_114] : memref<512x64xf32, #tpu.memory_space<vmem>> -> memref<128x64xf32, #tpu.memory_space<vmem>>
      %dma_start3A_116 = arith.constant 0 : i32
      %dma_start3A_117 = tpu.memref_slice %arg5[%add3A_112, %dma_start3A_116] : memref<200x128xi32, #tpu.memory_space<vmem>> -> memref<1x128xi32, #tpu.memory_space<vmem>>
      %dma_start3A_118 = tpu.memref_squeeze %dma_start3A_117 : memref<1x128xi32, #tpu.memory_space<vmem>> -> memref<128xi32, #tpu.memory_space<vmem>>
      %dma_start3A_119 = arith.constant 0 : i32
      %dma_start3A_120 = arith.constant 0 : i32
      %dma_start3A_121 = tpu.memref_slice %arg3[%dma_start3A_119, %dma_start3A_120] : memref<100000x64xf32, #tpu.memory_space<hbm>> -> memref<100000x64xf32, #tpu.memory_space<hbm>>
      tpu.enqueue_indirect_dma source(%dma_start3A_121 : memref<100000x64xf32, #tpu.memory_space<hbm>>) target(%dma_start3A_115 : memref<128x64xf32, #tpu.memory_space<vmem>>) offsets(%dma_start3A_118 : memref<128xi32, #tpu.memory_space<vmem>>) semaphore(%arg9 : memref<!tpu.dma_semaphore, #tpu.memory_space<semaphore_mem>>)
      %mul3A_122 = arith.constant 2 : i32
      %mul3A_123 = arith.muli %mul3A_122, %add3A_104 : i32
      %add3A_124 = arith.constant 0 : i32
      %add3A_125 = arith.addi %add3A_124, %mul3A_123 : i32
      %add3A_126 = arith.constant 1 : i32
      %add3A_127 = arith.addi %add3A_125, %add3A_126 : i32
      %dma_start3A_128 = arith.constant 128 : i32
      %dma_start3A_129 = arith.constant 0 : i32
      %dma_start3A_130 = tpu.memref_slice %arg7[%dma_start3A_128, %dma_start3A_129] : memref<512x64xf32, #tpu.memory_space<vmem>> -> memref<128x64xf32, #tpu.memory_space<vmem>>
      %dma_start3A_131 = arith.constant 0 : i32
      %dma_start3A_132 = tpu.memref_slice %arg5[%add3A_127, %dma_start3A_131] : memref<200x128xi32, #tpu.memory_space<vmem>> -> memref<1x128xi32, #tpu.memory_space<vmem>>
      %dma_start3A_133 = tpu.memref_squeeze %dma_start3A_132 : memref<1x128xi32, #tpu.memory_space<vmem>> -> memref<128xi32, #tpu.memory_space<vmem>>
      %dma_start3A_134 = arith.constant 0 : i32
      %dma_start3A_135 = arith.constant 0 : i32
      %dma_start3A_136 = tpu.memref_slice %arg3[%dma_start3A_134, %dma_start3A_135] : memref<100000x64xf32, #tpu.memory_space<hbm>> -> memref<100000x64xf32, #tpu.memory_space<hbm>>
      tpu.enqueue_indirect_dma source(%dma_start3A_136 : memref<100000x64xf32, #tpu.memory_space<hbm>>) target(%dma_start3A_130 : memref<128x64xf32, #tpu.memory_space<vmem>>) offsets(%dma_start3A_133 : memref<128xi32, #tpu.memory_space<vmem>>) semaphore(%arg9 : memref<!tpu.dma_semaphore, #tpu.memory_space<semaphore_mem>>)
      %mul3A_137 = arith.constant 2 : i32
      %mul3A_138 = arith.muli %mul3A_137, %add3A_104 : i32
      %add3A_139 = arith.constant 100 : i32
      %add3A_140 = arith.addi %add3A_139, %mul3A_138 : i32
      %add3A_141 = arith.constant 0 : i32
      %add3A_142 = arith.addi %add3A_140, %add3A_141 : i32
      %dma_start3A_143 = arith.constant 256 : i32
      %dma_start3A_144 = arith.constant 0 : i32
      %dma_start3A_145 = tpu.memref_slice %arg7[%dma_start3A_143, %dma_start3A_144] : memref<512x64xf32, #tpu.memory_space<vmem>> -> memref<128x64xf32, #tpu.memory_space<vmem>>
      %dma_start3A_146 = arith.constant 0 : i32
      %dma_start3A_147 = tpu.memref_slice %arg5[%add3A_142, %dma_start3A_146] : memref<200x128xi32, #tpu.memory_space<vmem>> -> memref<1x128xi32, #tpu.memory_space<vmem>>
      %dma_start3A_148 = tpu.memref_squeeze %dma_start3A_147 : memref<1x128xi32, #tpu.memory_space<vmem>> -> memref<128xi32, #tpu.memory_space<vmem>>
      %dma_start3A_149 = arith.constant 0 : i32
      %dma_start3A_150 = arith.constant 0 : i32
      %dma_start3A_151 = tpu.memref_slice %arg3[%dma_start3A_149, %dma_start3A_150] : memref<100000x64xf32, #tpu.memory_space<hbm>> -> memref<100000x64xf32, #tpu.memory_space<hbm>>
      tpu.enqueue_indirect_dma source(%dma_start3A_151 : memref<100000x64xf32, #tpu.memory_space<hbm>>) target(%dma_start3A_145 : memref<128x64xf32, #tpu.memory_space<vmem>>) offsets(%dma_start3A_148 : memref<128xi32, #tpu.memory_space<vmem>>) semaphore(%arg9 : memref<!tpu.dma_semaphore, #tpu.memory_space<semaphore_mem>>)
      %mul3A_152 = arith.constant 2 : i32
      %mul3A_153 = arith.muli %mul3A_152, %add3A_104 : i32
      %add3A_154 = arith.constant 100 : i32
      %add3A_155 = arith.addi %add3A_154, %mul3A_153 : i32
      %add3A_156 = arith.constant 1 : i32
      %add3A_157 = arith.addi %add3A_155, %add3A_156 : i32
      %dma_start3A_158 = arith.constant 384 : i32
      %dma_start3A_159 = arith.constant 0 : i32
      %dma_start3A_160 = tpu.memref_slice %arg7[%dma_start3A_158, %dma_start3A_159] : memref<512x64xf32, #tpu.memory_space<vmem>> -> memref<128x64xf32, #tpu.memory_space<vmem>>
      %dma_start3A_161 = arith.constant 0 : i32
      %dma_start3A_162 = tpu.memref_slice %arg5[%add3A_157, %dma_start3A_161] : memref<200x128xi32, #tpu.memory_space<vmem>> -> memref<1x128xi32, #tpu.memory_space<vmem>>
      %dma_start3A_163 = tpu.memref_squeeze %dma_start3A_162 : memref<1x128xi32, #tpu.memory_space<vmem>> -> memref<128xi32, #tpu.memory_space<vmem>>
      %dma_start3A_164 = arith.constant 0 : i32
      %dma_start3A_165 = arith.constant 0 : i32
      %dma_start3A_166 = tpu.memref_slice %arg3[%dma_start3A_164, %dma_start3A_165] : memref<100000x64xf32, #tpu.memory_space<hbm>> -> memref<100000x64xf32, #tpu.memory_space<hbm>>
      tpu.enqueue_indirect_dma source(%dma_start3A_166 : memref<100000x64xf32, #tpu.memory_space<hbm>>) target(%dma_start3A_160 : memref<128x64xf32, #tpu.memory_space<vmem>>) offsets(%dma_start3A_163 : memref<128xi32, #tpu.memory_space<vmem>>) semaphore(%arg9 : memref<!tpu.dma_semaphore, #tpu.memory_space<semaphore_mem>>)
      %mul3A_167 = arith.constant 2 : i32
      %mul3A_168 = arith.muli %mul3A_167, %mul3A_102 : i32
      %add3A_169 = arith.constant 0 : i32
      %add3A_170 = arith.addi %add3A_169, %mul3A_168 : i32
      %add3A_171 = arith.constant 0 : i32
      %add3A_172 = arith.addi %add3A_170, %add3A_171 : i32
      %dma_wait3A_173 = arith.constant 0 : i32
      %dma_wait3A_174 = arith.constant 0 : i32
      %dma_wait3A_175 = tpu.memref_slice %arg6[%dma_wait3A_173, %dma_wait3A_174] : memref<512x64xf32, #tpu.memory_space<vmem>> -> memref<128x64xf32, #tpu.memory_space<vmem>>
      %dma_wait3A_176 = arith.constant 0 : i32
      %dma_wait3A_177 = tpu.memref_slice %arg5[%add3A_172, %dma_wait3A_176] : memref<200x128xi32, #tpu.memory_space<vmem>> -> memref<1x128xi32, #tpu.memory_space<vmem>>
      %dma_wait3A_178 = tpu.memref_squeeze %dma_wait3A_177 : memref<1x128xi32, #tpu.memory_space<vmem>> -> memref<128xi32, #tpu.memory_space<vmem>>
      %dma_wait3A_179 = arith.constant 0 : i32
      %dma_wait3A_180 = arith.constant 0 : i32
      %dma_wait3A_181 = tpu.memref_slice %arg3[%dma_wait3A_179, %dma_wait3A_180] : memref<100000x64xf32, #tpu.memory_space<hbm>> -> memref<100000x64xf32, #tpu.memory_space<hbm>>
      tpu.wait_indirect_dma semaphore(%arg8 : memref<!tpu.dma_semaphore, #tpu.memory_space<semaphore_mem>>) src(%dma_wait3A_181 : memref<100000x64xf32, #tpu.memory_space<hbm>>) dst(%dma_wait3A_175 : memref<128x64xf32, #tpu.memory_space<vmem>>)
      %mul3A_182 = arith.constant 2 : i32
      %mul3A_183 = arith.muli %mul3A_182, %mul3A_102 : i32
      %add3A_184 = arith.constant 0 : i32
      %add3A_185 = arith.addi %add3A_184, %mul3A_183 : i32
      %add3A_186 = arith.constant 1 : i32
      %add3A_187 = arith.addi %add3A_185, %add3A_186 : i32
      %dma_wait3A_188 = arith.constant 128 : i32
      %dma_wait3A_189 = arith.constant 0 : i32
      %dma_wait3A_190 = tpu.memref_slice %arg6[%dma_wait3A_188, %dma_wait3A_189] : memref<512x64xf32, #tpu.memory_space<vmem>> -> memref<128x64xf32, #tpu.memory_space<vmem>>
      %dma_wait3A_191 = arith.constant 0 : i32
      %dma_wait3A_192 = tpu.memref_slice %arg5[%add3A_187, %dma_wait3A_191] : memref<200x128xi32, #tpu.memory_space<vmem>> -> memref<1x128xi32, #tpu.memory_space<vmem>>
      %dma_wait3A_193 = tpu.memref_squeeze %dma_wait3A_192 : memref<1x128xi32, #tpu.memory_space<vmem>> -> memref<128xi32, #tpu.memory_space<vmem>>
      %dma_wait3A_194 = arith.constant 0 : i32
      %dma_wait3A_195 = arith.constant 0 : i32
      %dma_wait3A_196 = tpu.memref_slice %arg3[%dma_wait3A_194, %dma_wait3A_195] : memref<100000x64xf32, #tpu.memory_space<hbm>> -> memref<100000x64xf32, #tpu.memory_space<hbm>>
      tpu.wait_indirect_dma semaphore(%arg8 : memref<!tpu.dma_semaphore, #tpu.memory_space<semaphore_mem>>) src(%dma_wait3A_196 : memref<100000x64xf32, #tpu.memory_space<hbm>>) dst(%dma_wait3A_190 : memref<128x64xf32, #tpu.memory_space<vmem>>)
      %mul3A_197 = arith.constant 2 : i32
      %mul3A_198 = arith.muli %mul3A_197, %mul3A_102 : i32
      %add3A_199 = arith.constant 100 : i32
      %add3A_200 = arith.addi %add3A_199, %mul3A_198 : i32
      %add3A_201 = arith.constant 0 : i32
      %add3A_202 = arith.addi %add3A_200, %add3A_201 : i32
      %dma_wait3A_203 = arith.constant 256 : i32
      %dma_wait3A_204 = arith.constant 0 : i32
      %dma_wait3A_205 = tpu.memref_slice %arg6[%dma_wait3A_203, %dma_wait3A_204] : memref<512x64xf32, #tpu.memory_space<vmem>> -> memref<128x64xf32, #tpu.memory_space<vmem>>
      %dma_wait3A_206 = arith.constant 0 : i32
      %dma_wait3A_207 = tpu.memref_slice %arg5[%add3A_202, %dma_wait3A_206] : memref<200x128xi32, #tpu.memory_space<vmem>> -> memref<1x128xi32, #tpu.memory_space<vmem>>
      %dma_wait3A_208 = tpu.memref_squeeze %dma_wait3A_207 : memref<1x128xi32, #tpu.memory_space<vmem>> -> memref<128xi32, #tpu.memory_space<vmem>>
      %dma_wait3A_209 = arith.constant 0 : i32
      %dma_wait3A_210 = arith.constant 0 : i32
      %dma_wait3A_211 = tpu.memref_slice %arg3[%dma_wait3A_209, %dma_wait3A_210] : memref<100000x64xf32, #tpu.memory_space<hbm>> -> memref<100000x64xf32, #tpu.memory_space<hbm>>
      tpu.wait_indirect_dma semaphore(%arg8 : memref<!tpu.dma_semaphore, #tpu.memory_space<semaphore_mem>>) src(%dma_wait3A_211 : memref<100000x64xf32, #tpu.memory_space<hbm>>) dst(%dma_wait3A_205 : memref<128x64xf32, #tpu.memory_space<vmem>>)
      %mul3A_212 = arith.constant 2 : i32
      %mul3A_213 = arith.muli %mul3A_212, %mul3A_102 : i32
      %add3A_214 = arith.constant 100 : i32
      %add3A_215 = arith.addi %add3A_214, %mul3A_213 : i32
      %add3A_216 = arith.constant 1 : i32
      %add3A_217 = arith.addi %add3A_215, %add3A_216 : i32
      %dma_wait3A_218 = arith.constant 384 : i32
      %dma_wait3A_219 = arith.constant 0 : i32
      %dma_wait3A_220 = tpu.memref_slice %arg6[%dma_wait3A_218, %dma_wait3A_219] : memref<512x64xf32, #tpu.memory_space<vmem>> -> memref<128x64xf32, #tpu.memory_space<vmem>>
      %dma_wait3A_221 = arith.constant 0 : i32
      %dma_wait3A_222 = tpu.memref_slice %arg5[%add3A_217, %dma_wait3A_221] : memref<200x128xi32, #tpu.memory_space<vmem>> -> memref<1x128xi32, #tpu.memory_space<vmem>>
      %dma_wait3A_223 = tpu.memref_squeeze %dma_wait3A_222 : memref<1x128xi32, #tpu.memory_space<vmem>> -> memref<128xi32, #tpu.memory_space<vmem>>
      %dma_wait3A_224 = arith.constant 0 : i32
      %dma_wait3A_225 = arith.constant 0 : i32
      %dma_wait3A_226 = tpu.memref_slice %arg3[%dma_wait3A_224, %dma_wait3A_225] : memref<100000x64xf32, #tpu.memory_space<hbm>> -> memref<100000x64xf32, #tpu.memory_space<hbm>>
      tpu.wait_indirect_dma semaphore(%arg8 : memref<!tpu.dma_semaphore, #tpu.memory_space<semaphore_mem>>) src(%dma_wait3A_226 : memref<100000x64xf32, #tpu.memory_space<hbm>>) dst(%dma_wait3A_220 : memref<128x64xf32, #tpu.memory_space<vmem>>)
      %mul3A_227 = arith.constant 256 : i32
      %mul3A_228 = arith.muli %mul3A_102, %mul3A_227 : i32
      %add3A_229 = arith.addi %mul3A_8, %mul3A_228 : i32
      %dma_start3A_230 = arith.constant 0 : i32
      %dma_start3A_231 = arith.constant 0 : i32
      %dma_start3A_232 = tpu.memref_slice %arg6[%dma_start3A_230, %dma_start3A_231] : memref<512x64xf32, #tpu.memory_space<vmem>> -> memref<256x64xf32, #tpu.memory_space<vmem>>
      %dma_start3A_233 = arith.constant 0 : i32
      %dma_start3A_234 = tpu.memref_slice %arg4[%add3A_229, %dma_start3A_233] : memref<409600x128xf32, #tpu.memory_space<hbm>> -> memref<256x64xf32, #tpu.memory_space<hbm>>
      %dma_start3A_235 = arith.constant 0 : i32
      %dma_start3A_236 = tpu.memref_slice %arg4[%add3A_229, %dma_start3A_235] : memref<409600x128xf32, #tpu.memory_space<hbm>> -> memref<256x64xf32, #tpu.memory_space<hbm>>
      %dma_start3A_237 = arith.constant 0 : i32
      %dma_start3A_238 = arith.constant 0 : i32
      %dma_start3A_239 = tpu.memref_slice %arg6[%dma_start3A_237, %dma_start3A_238] : memref<512x64xf32, #tpu.memory_space<vmem>> -> memref<256x64xf32, #tpu.memory_space<vmem>>
      tpu.enqueue_dma source(%dma_start3A_239 : memref<256x64xf32, #tpu.memory_space<vmem>>) target(%dma_start3A_236 : memref<256x64xf32, #tpu.memory_space<hbm>>) target_semaphore(%arg10 : memref<!tpu.dma_semaphore, #tpu.memory_space<semaphore_mem>>)
      %mul3A_240 = arith.constant 256 : i32
      %mul3A_241 = arith.muli %mul3A_102, %mul3A_240 : i32
      %add3A_242 = arith.addi %mul3A_8, %mul3A_241 : i32
      %dma_start3A_243 = arith.constant 256 : i32
      %dma_start3A_244 = arith.constant 0 : i32
      %dma_start3A_245 = tpu.memref_slice %arg6[%dma_start3A_243, %dma_start3A_244] : memref<512x64xf32, #tpu.memory_space<vmem>> -> memref<256x64xf32, #tpu.memory_space<vmem>>
      %dma_start3A_246 = arith.constant 64 : i32
      %dma_start3A_247 = tpu.memref_slice %arg4[%add3A_242, %dma_start3A_246] : memref<409600x128xf32, #tpu.memory_space<hbm>> -> memref<256x64xf32, #tpu.memory_space<hbm>>
      %dma_start3A_248 = arith.constant 64 : i32
      %dma_start3A_249 = tpu.memref_slice %arg4[%add3A_242, %dma_start3A_248] : memref<409600x128xf32, #tpu.memory_space<hbm>> -> memref<256x64xf32, #tpu.memory_space<hbm>>
      %dma_start3A_250 = arith.constant 256 : i32
      %dma_start3A_251 = arith.constant 0 : i32
      %dma_start3A_252 = tpu.memref_slice %arg6[%dma_start3A_250, %dma_start3A_251] : memref<512x64xf32, #tpu.memory_space<vmem>> -> memref<256x64xf32, #tpu.memory_space<vmem>>
      tpu.enqueue_dma source(%dma_start3A_252 : memref<256x64xf32, #tpu.memory_space<vmem>>) target(%dma_start3A_249 : memref<256x64xf32, #tpu.memory_space<hbm>>) target_semaphore(%arg10 : memref<!tpu.dma_semaphore, #tpu.memory_space<semaphore_mem>>)
      %lt3A = arith.constant 24 : i32
      %lt3A_253 = arith.cmpi slt, %scan3A_100, %lt3A : i32
      %convert_element_type3A_254 = arith.extui %lt3A_253 : i1 to i32
      %cond3A_255 = arith.constant 0 : i32
      %cond3A_256 = arith.cmpi ne, %convert_element_type3A_254, %cond3A_255 : i32
      scf.if %cond3A_256 {
        %mul3A_343 = arith.constant 256 : i32
        %mul3A_344 = arith.muli %mul3A_102, %mul3A_343 : i32
        %add3A_345 = arith.addi %mul3A_8, %mul3A_344 : i32
        %dma_wait3A_346 = arith.constant 0 : i32
        %dma_wait3A_347 = arith.constant 0 : i32
        %dma_wait3A_348 = tpu.memref_slice %arg6[%dma_wait3A_346, %dma_wait3A_347] : memref<512x64xf32, #tpu.memory_space<vmem>> -> memref<256x64xf32, #tpu.memory_space<vmem>>
        %dma_wait3A_349 = arith.constant 0 : i32
        %dma_wait3A_350 = tpu.memref_slice %arg4[%add3A_345, %dma_wait3A_349] : memref<409600x128xf32, #tpu.memory_space<hbm>> -> memref<256x64xf32, #tpu.memory_space<hbm>>
        %dma_wait3A_351 = arith.constant 0 : i32
        %dma_wait3A_352 = tpu.memref_slice %arg4[%add3A_345, %dma_wait3A_351] : memref<409600x128xf32, #tpu.memory_space<hbm>> -> memref<256x64xf32, #tpu.memory_space<hbm>>
        %dma_wait3A_353 = arith.constant 0 : i32
        %dma_wait3A_354 = arith.constant 0 : i32
        %dma_wait3A_355 = tpu.memref_slice %arg6[%dma_wait3A_353, %dma_wait3A_354] : memref<512x64xf32, #tpu.memory_space<vmem>> -> memref<256x64xf32, #tpu.memory_space<vmem>>
        tpu.wait_dma2 semaphore(%arg10 : memref<!tpu.dma_semaphore, #tpu.memory_space<semaphore_mem>>) src(%dma_wait3A_355 : memref<256x64xf32, #tpu.memory_space<vmem>>) dst(%dma_wait3A_352 : memref<256x64xf32, #tpu.memory_space<hbm>>)
        %mul3A_356 = arith.constant 256 : i32
        %mul3A_357 = arith.muli %mul3A_102, %mul3A_356 : i32
        %add3A_358 = arith.addi %mul3A_8, %mul3A_357 : i32
        %dma_wait3A_359 = arith.constant 256 : i32
        %dma_wait3A_360 = arith.constant 0 : i32
        %dma_wait3A_361 = tpu.memref_slice %arg6[%dma_wait3A_359, %dma_wait3A_360] : memref<512x64xf32, #tpu.memory_space<vmem>> -> memref<256x64xf32, #tpu.memory_space<vmem>>
        %dma_wait3A_362 = arith.constant 64 : i32
        %dma_wait3A_363 = tpu.memref_slice %arg4[%add3A_358, %dma_wait3A_362] : memref<409600x128xf32, #tpu.memory_space<hbm>> -> memref<256x64xf32, #tpu.memory_space<hbm>>
        %dma_wait3A_364 = arith.constant 64 : i32
        %dma_wait3A_365 = tpu.memref_slice %arg4[%add3A_358, %dma_wait3A_364] : memref<409600x128xf32, #tpu.memory_space<hbm>> -> memref<256x64xf32, #tpu.memory_space<hbm>>
        %dma_wait3A_366 = arith.constant 256 : i32
        %dma_wait3A_367 = arith.constant 0 : i32
        %dma_wait3A_368 = tpu.memref_slice %arg6[%dma_wait3A_366, %dma_wait3A_367] : memref<512x64xf32, #tpu.memory_space<vmem>> -> memref<256x64xf32, #tpu.memory_space<vmem>>
        tpu.wait_dma2 semaphore(%arg10 : memref<!tpu.dma_semaphore, #tpu.memory_space<semaphore_mem>>) src(%dma_wait3A_368 : memref<256x64xf32, #tpu.memory_space<vmem>>) dst(%dma_wait3A_365 : memref<256x64xf32, #tpu.memory_space<hbm>>)
        %add3A_369 = arith.constant 2 : i32
        %add3A_370 = arith.addi %mul3A_102, %add3A_369 : i32
        %mul3A_371 = arith.constant 2 : i32
        %mul3A_372 = arith.muli %mul3A_371, %add3A_370 : i32
        %add3A_373 = arith.constant 0 : i32
        %add3A_374 = arith.addi %add3A_373, %mul3A_372 : i32
        %add3A_375 = arith.constant 0 : i32
        %add3A_376 = arith.addi %add3A_374, %add3A_375 : i32
        %dma_start3A_377 = arith.constant 0 : i32
        %dma_start3A_378 = arith.constant 0 : i32
        %dma_start3A_379 = tpu.memref_slice %arg6[%dma_start3A_377, %dma_start3A_378] : memref<512x64xf32, #tpu.memory_space<vmem>> -> memref<128x64xf32, #tpu.memory_space<vmem>>
        %dma_start3A_380 = arith.constant 0 : i32
        %dma_start3A_381 = tpu.memref_slice %arg5[%add3A_376, %dma_start3A_380] : memref<200x128xi32, #tpu.memory_space<vmem>> -> memref<1x128xi32, #tpu.memory_space<vmem>>
        %dma_start3A_382 = tpu.memref_squeeze %dma_start3A_381 : memref<1x128xi32, #tpu.memory_space<vmem>> -> memref<128xi32, #tpu.memory_space<vmem>>
        %dma_start3A_383 = arith.constant 0 : i32
        %dma_start3A_384 = arith.constant 0 : i32
        %dma_start3A_385 = tpu.memref_slice %arg3[%dma_start3A_383, %dma_start3A_384] : memref<100000x64xf32, #tpu.memory_space<hbm>> -> memref<100000x64xf32, #tpu.memory_space<hbm>>
        tpu.enqueue_indirect_dma source(%dma_start3A_385 : memref<100000x64xf32, #tpu.memory_space<hbm>>) target(%dma_start3A_379 : memref<128x64xf32, #tpu.memory_space<vmem>>) offsets(%dma_start3A_382 : memref<128xi32, #tpu.memory_space<vmem>>) semaphore(%arg8 : memref<!tpu.dma_semaphore, #tpu.memory_space<semaphore_mem>>)
        %mul3A_386 = arith.constant 2 : i32
        %mul3A_387 = arith.muli %mul3A_386, %add3A_370 : i32
        %add3A_388 = arith.constant 0 : i32
        %add3A_389 = arith.addi %add3A_388, %mul3A_387 : i32
        %add3A_390 = arith.constant 1 : i32
        %add3A_391 = arith.addi %add3A_389, %add3A_390 : i32
        %dma_start3A_392 = arith.constant 128 : i32
        %dma_start3A_393 = arith.constant 0 : i32
        %dma_start3A_394 = tpu.memref_slice %arg6[%dma_start3A_392, %dma_start3A_393] : memref<512x64xf32, #tpu.memory_space<vmem>> -> memref<128x64xf32, #tpu.memory_space<vmem>>
        %dma_start3A_395 = arith.constant 0 : i32
        %dma_start3A_396 = tpu.memref_slice %arg5[%add3A_391, %dma_start3A_395] : memref<200x128xi32, #tpu.memory_space<vmem>> -> memref<1x128xi32, #tpu.memory_space<vmem>>
        %dma_start3A_397 = tpu.memref_squeeze %dma_start3A_396 : memref<1x128xi32, #tpu.memory_space<vmem>> -> memref<128xi32, #tpu.memory_space<vmem>>
        %dma_start3A_398 = arith.constant 0 : i32
        %dma_start3A_399 = arith.constant 0 : i32
        %dma_start3A_400 = tpu.memref_slice %arg3[%dma_start3A_398, %dma_start3A_399] : memref<100000x64xf32, #tpu.memory_space<hbm>> -> memref<100000x64xf32, #tpu.memory_space<hbm>>
        tpu.enqueue_indirect_dma source(%dma_start3A_400 : memref<100000x64xf32, #tpu.memory_space<hbm>>) target(%dma_start3A_394 : memref<128x64xf32, #tpu.memory_space<vmem>>) offsets(%dma_start3A_397 : memref<128xi32, #tpu.memory_space<vmem>>) semaphore(%arg8 : memref<!tpu.dma_semaphore, #tpu.memory_space<semaphore_mem>>)
        %mul3A_401 = arith.constant 2 : i32
        %mul3A_402 = arith.muli %mul3A_401, %add3A_370 : i32
        %add3A_403 = arith.constant 100 : i32
        %add3A_404 = arith.addi %add3A_403, %mul3A_402 : i32
        %add3A_405 = arith.constant 0 : i32
        %add3A_406 = arith.addi %add3A_404, %add3A_405 : i32
        %dma_start3A_407 = arith.constant 256 : i32
        %dma_start3A_408 = arith.constant 0 : i32
        %dma_start3A_409 = tpu.memref_slice %arg6[%dma_start3A_407, %dma_start3A_408] : memref<512x64xf32, #tpu.memory_space<vmem>> -> memref<128x64xf32, #tpu.memory_space<vmem>>
        %dma_start3A_410 = arith.constant 0 : i32
        %dma_start3A_411 = tpu.memref_slice %arg5[%add3A_406, %dma_start3A_410] : memref<200x128xi32, #tpu.memory_space<vmem>> -> memref<1x128xi32, #tpu.memory_space<vmem>>
        %dma_start3A_412 = tpu.memref_squeeze %dma_start3A_411 : memref<1x128xi32, #tpu.memory_space<vmem>> -> memref<128xi32, #tpu.memory_space<vmem>>
        %dma_start3A_413 = arith.constant 0 : i32
        %dma_start3A_414 = arith.constant 0 : i32
        %dma_start3A_415 = tpu.memref_slice %arg3[%dma_start3A_413, %dma_start3A_414] : memref<100000x64xf32, #tpu.memory_space<hbm>> -> memref<100000x64xf32, #tpu.memory_space<hbm>>
        tpu.enqueue_indirect_dma source(%dma_start3A_415 : memref<100000x64xf32, #tpu.memory_space<hbm>>) target(%dma_start3A_409 : memref<128x64xf32, #tpu.memory_space<vmem>>) offsets(%dma_start3A_412 : memref<128xi32, #tpu.memory_space<vmem>>) semaphore(%arg8 : memref<!tpu.dma_semaphore, #tpu.memory_space<semaphore_mem>>)
        %mul3A_416 = arith.constant 2 : i32
        %mul3A_417 = arith.muli %mul3A_416, %add3A_370 : i32
        %add3A_418 = arith.constant 100 : i32
        %add3A_419 = arith.addi %add3A_418, %mul3A_417 : i32
        %add3A_420 = arith.constant 1 : i32
        %add3A_421 = arith.addi %add3A_419, %add3A_420 : i32
        %dma_start3A_422 = arith.constant 384 : i32
        %dma_start3A_423 = arith.constant 0 : i32
        %dma_start3A_424 = tpu.memref_slice %arg6[%dma_start3A_422, %dma_start3A_423] : memref<512x64xf32, #tpu.memory_space<vmem>> -> memref<128x64xf32, #tpu.memory_space<vmem>>
        %dma_start3A_425 = arith.constant 0 : i32
        %dma_start3A_426 = tpu.memref_slice %arg5[%add3A_421, %dma_start3A_425] : memref<200x128xi32, #tpu.memory_space<vmem>> -> memref<1x128xi32, #tpu.memory_space<vmem>>
        %dma_start3A_427 = tpu.memref_squeeze %dma_start3A_426 : memref<1x128xi32, #tpu.memory_space<vmem>> -> memref<128xi32, #tpu.memory_space<vmem>>
        %dma_start3A_428 = arith.constant 0 : i32
        %dma_start3A_429 = arith.constant 0 : i32
        %dma_start3A_430 = tpu.memref_slice %arg3[%dma_start3A_428, %dma_start3A_429] : memref<100000x64xf32, #tpu.memory_space<hbm>> -> memref<100000x64xf32, #tpu.memory_space<hbm>>
        tpu.enqueue_indirect_dma source(%dma_start3A_430 : memref<100000x64xf32, #tpu.memory_space<hbm>>) target(%dma_start3A_424 : memref<128x64xf32, #tpu.memory_space<vmem>>) offsets(%dma_start3A_427 : memref<128xi32, #tpu.memory_space<vmem>>) semaphore(%arg8 : memref<!tpu.dma_semaphore, #tpu.memory_space<semaphore_mem>>)
      } else {
      }
      %mul3A_257 = arith.constant 2 : i32
      %mul3A_258 = arith.muli %mul3A_257, %add3A_104 : i32
      %add3A_259 = arith.constant 0 : i32
      %add3A_260 = arith.addi %add3A_259, %mul3A_258 : i32
      %add3A_261 = arith.constant 0 : i32
      %add3A_262 = arith.addi %add3A_260, %add3A_261 : i32
      %dma_wait3A_263 = arith.constant 0 : i32
      %dma_wait3A_264 = arith.constant 0 : i32
      %dma_wait3A_265 = tpu.memref_slice %arg7[%dma_wait3A_263, %dma_wait3A_264] : memref<512x64xf32, #tpu.memory_space<vmem>> -> memref<128x64xf32, #tpu.memory_space<vmem>>
      %dma_wait3A_266 = arith.constant 0 : i32
      %dma_wait3A_267 = tpu.memref_slice %arg5[%add3A_262, %dma_wait3A_266] : memref<200x128xi32, #tpu.memory_space<vmem>> -> memref<1x128xi32, #tpu.memory_space<vmem>>
      %dma_wait3A_268 = tpu.memref_squeeze %dma_wait3A_267 : memref<1x128xi32, #tpu.memory_space<vmem>> -> memref<128xi32, #tpu.memory_space<vmem>>
      %dma_wait3A_269 = arith.constant 0 : i32
      %dma_wait3A_270 = arith.constant 0 : i32
      %dma_wait3A_271 = tpu.memref_slice %arg3[%dma_wait3A_269, %dma_wait3A_270] : memref<100000x64xf32, #tpu.memory_space<hbm>> -> memref<100000x64xf32, #tpu.memory_space<hbm>>
      tpu.wait_indirect_dma semaphore(%arg9 : memref<!tpu.dma_semaphore, #tpu.memory_space<semaphore_mem>>) src(%dma_wait3A_271 : memref<100000x64xf32, #tpu.memory_space<hbm>>) dst(%dma_wait3A_265 : memref<128x64xf32, #tpu.memory_space<vmem>>)
      %mul3A_272 = arith.constant 2 : i32
      %mul3A_273 = arith.muli %mul3A_272, %add3A_104 : i32
      %add3A_274 = arith.constant 0 : i32
      %add3A_275 = arith.addi %add3A_274, %mul3A_273 : i32
      %add3A_276 = arith.constant 1 : i32
      %add3A_277 = arith.addi %add3A_275, %add3A_276 : i32
      %dma_wait3A_278 = arith.constant 128 : i32
      %dma_wait3A_279 = arith.constant 0 : i32
      %dma_wait3A_280 = tpu.memref_slice %arg7[%dma_wait3A_278, %dma_wait3A_279] : memref<512x64xf32, #tpu.memory_space<vmem>> -> memref<128x64xf32, #tpu.memory_space<vmem>>
      %dma_wait3A_281 = arith.constant 0 : i32
      %dma_wait3A_282 = tpu.memref_slice %arg5[%add3A_277, %dma_wait3A_281] : memref<200x128xi32, #tpu.memory_space<vmem>> -> memref<1x128xi32, #tpu.memory_space<vmem>>
      %dma_wait3A_283 = tpu.memref_squeeze %dma_wait3A_282 : memref<1x128xi32, #tpu.memory_space<vmem>> -> memref<128xi32, #tpu.memory_space<vmem>>
      %dma_wait3A_284 = arith.constant 0 : i32
      %dma_wait3A_285 = arith.constant 0 : i32
      %dma_wait3A_286 = tpu.memref_slice %arg3[%dma_wait3A_284, %dma_wait3A_285] : memref<100000x64xf32, #tpu.memory_space<hbm>> -> memref<100000x64xf32, #tpu.memory_space<hbm>>
      tpu.wait_indirect_dma semaphore(%arg9 : memref<!tpu.dma_semaphore, #tpu.memory_space<semaphore_mem>>) src(%dma_wait3A_286 : memref<100000x64xf32, #tpu.memory_space<hbm>>) dst(%dma_wait3A_280 : memref<128x64xf32, #tpu.memory_space<vmem>>)
      %mul3A_287 = arith.constant 2 : i32
      %mul3A_288 = arith.muli %mul3A_287, %add3A_104 : i32
      %add3A_289 = arith.constant 100 : i32
      %add3A_290 = arith.addi %add3A_289, %mul3A_288 : i32
      %add3A_291 = arith.constant 0 : i32
      %add3A_292 = arith.addi %add3A_290, %add3A_291 : i32
      %dma_wait3A_293 = arith.constant 256 : i32
      %dma_wait3A_294 = arith.constant 0 : i32
      %dma_wait3A_295 = tpu.memref_slice %arg7[%dma_wait3A_293, %dma_wait3A_294] : memref<512x64xf32, #tpu.memory_space<vmem>> -> memref<128x64xf32, #tpu.memory_space<vmem>>
      %dma_wait3A_296 = arith.constant 0 : i32
      %dma_wait3A_297 = tpu.memref_slice %arg5[%add3A_292, %dma_wait3A_296] : memref<200x128xi32, #tpu.memory_space<vmem>> -> memref<1x128xi32, #tpu.memory_space<vmem>>
      %dma_wait3A_298 = tpu.memref_squeeze %dma_wait3A_297 : memref<1x128xi32, #tpu.memory_space<vmem>> -> memref<128xi32, #tpu.memory_space<vmem>>
      %dma_wait3A_299 = arith.constant 0 : i32
      %dma_wait3A_300 = arith.constant 0 : i32
      %dma_wait3A_301 = tpu.memref_slice %arg3[%dma_wait3A_299, %dma_wait3A_300] : memref<100000x64xf32, #tpu.memory_space<hbm>> -> memref<100000x64xf32, #tpu.memory_space<hbm>>
      tpu.wait_indirect_dma semaphore(%arg9 : memref<!tpu.dma_semaphore, #tpu.memory_space<semaphore_mem>>) src(%dma_wait3A_301 : memref<100000x64xf32, #tpu.memory_space<hbm>>) dst(%dma_wait3A_295 : memref<128x64xf32, #tpu.memory_space<vmem>>)
      %mul3A_302 = arith.constant 2 : i32
      %mul3A_303 = arith.muli %mul3A_302, %add3A_104 : i32
      %add3A_304 = arith.constant 100 : i32
      %add3A_305 = arith.addi %add3A_304, %mul3A_303 : i32
      %add3A_306 = arith.constant 1 : i32
      %add3A_307 = arith.addi %add3A_305, %add3A_306 : i32
      %dma_wait3A_308 = arith.constant 384 : i32
      %dma_wait3A_309 = arith.constant 0 : i32
      %dma_wait3A_310 = tpu.memref_slice %arg7[%dma_wait3A_308, %dma_wait3A_309] : memref<512x64xf32, #tpu.memory_space<vmem>> -> memref<128x64xf32, #tpu.memory_space<vmem>>
      %dma_wait3A_311 = arith.constant 0 : i32
      %dma_wait3A_312 = tpu.memref_slice %arg5[%add3A_307, %dma_wait3A_311] : memref<200x128xi32, #tpu.memory_space<vmem>> -> memref<1x128xi32, #tpu.memory_space<vmem>>
      %dma_wait3A_313 = tpu.memref_squeeze %dma_wait3A_312 : memref<1x128xi32, #tpu.memory_space<vmem>> -> memref<128xi32, #tpu.memory_space<vmem>>
      %dma_wait3A_314 = arith.constant 0 : i32
      %dma_wait3A_315 = arith.constant 0 : i32
      %dma_wait3A_316 = tpu.memref_slice %arg3[%dma_wait3A_314, %dma_wait3A_315] : memref<100000x64xf32, #tpu.memory_space<hbm>> -> memref<100000x64xf32, #tpu.memory_space<hbm>>
      tpu.wait_indirect_dma semaphore(%arg9 : memref<!tpu.dma_semaphore, #tpu.memory_space<semaphore_mem>>) src(%dma_wait3A_316 : memref<100000x64xf32, #tpu.memory_space<hbm>>) dst(%dma_wait3A_310 : memref<128x64xf32, #tpu.memory_space<vmem>>)
      %mul3A_317 = arith.constant 256 : i32
      %mul3A_318 = arith.muli %add3A_104, %mul3A_317 : i32
      %add3A_319 = arith.addi %mul3A_8, %mul3A_318 : i32
      %dma_start3A_320 = arith.constant 0 : i32
      %dma_start3A_321 = arith.constant 0 : i32
      %dma_start3A_322 = tpu.memref_slice %arg7[%dma_start3A_320, %dma_start3A_321] : memref<512x64xf32, #tpu.memory_space<vmem>> -> memref<256x64xf32, #tpu.memory_space<vmem>>
      %dma_start3A_323 = arith.constant 0 : i32
      %dma_start3A_324 = tpu.memref_slice %arg4[%add3A_319, %dma_start3A_323] : memref<409600x128xf32, #tpu.memory_space<hbm>> -> memref<256x64xf32, #tpu.memory_space<hbm>>
      %dma_start3A_325 = arith.constant 0 : i32
      %dma_start3A_326 = tpu.memref_slice %arg4[%add3A_319, %dma_start3A_325] : memref<409600x128xf32, #tpu.memory_space<hbm>> -> memref<256x64xf32, #tpu.memory_space<hbm>>
      %dma_start3A_327 = arith.constant 0 : i32
      %dma_start3A_328 = arith.constant 0 : i32
      %dma_start3A_329 = tpu.memref_slice %arg7[%dma_start3A_327, %dma_start3A_328] : memref<512x64xf32, #tpu.memory_space<vmem>> -> memref<256x64xf32, #tpu.memory_space<vmem>>
      tpu.enqueue_dma source(%dma_start3A_329 : memref<256x64xf32, #tpu.memory_space<vmem>>) target(%dma_start3A_326 : memref<256x64xf32, #tpu.memory_space<hbm>>) target_semaphore(%arg11 : memref<!tpu.dma_semaphore, #tpu.memory_space<semaphore_mem>>)
      %mul3A_330 = arith.constant 256 : i32
      %mul3A_331 = arith.muli %add3A_104, %mul3A_330 : i32
      %add3A_332 = arith.addi %mul3A_8, %mul3A_331 : i32
      %dma_start3A_333 = arith.constant 256 : i32
      %dma_start3A_334 = arith.constant 0 : i32
      %dma_start3A_335 = tpu.memref_slice %arg7[%dma_start3A_333, %dma_start3A_334] : memref<512x64xf32, #tpu.memory_space<vmem>> -> memref<256x64xf32, #tpu.memory_space<vmem>>
      %dma_start3A_336 = arith.constant 64 : i32
      %dma_start3A_337 = tpu.memref_slice %arg4[%add3A_332, %dma_start3A_336] : memref<409600x128xf32, #tpu.memory_space<hbm>> -> memref<256x64xf32, #tpu.memory_space<hbm>>
      %dma_start3A_338 = arith.constant 64 : i32
      %dma_start3A_339 = tpu.memref_slice %arg4[%add3A_332, %dma_start3A_338] : memref<409600x128xf32, #tpu.memory_space<hbm>> -> memref<256x64xf32, #tpu.memory_space<hbm>>
      %dma_start3A_340 = arith.constant 256 : i32
      %dma_start3A_341 = arith.constant 0 : i32
      %dma_start3A_342 = tpu.memref_slice %arg7[%dma_start3A_340, %dma_start3A_341] : memref<512x64xf32, #tpu.memory_space<vmem>> -> memref<256x64xf32, #tpu.memory_space<vmem>>
      tpu.enqueue_dma source(%dma_start3A_342 : memref<256x64xf32, #tpu.memory_space<vmem>>) target(%dma_start3A_339 : memref<256x64xf32, #tpu.memory_space<hbm>>) target_semaphore(%arg11 : memref<!tpu.dma_semaphore, #tpu.memory_space<semaphore_mem>>)
    }
    %scan3A_52 = arith.constant 25 : i32
    %add3A_53 = arith.constant 12288 : i32
    %add3A_54 = arith.addi %mul3A_8, %add3A_53 : i32
    %dma_wait3A = arith.constant 0 : i32
    %dma_wait3A_55 = arith.constant 0 : i32
    %dma_wait3A_56 = tpu.memref_slice %arg6[%dma_wait3A, %dma_wait3A_55] : memref<512x64xf32, #tpu.memory_space<vmem>> -> memref<256x64xf32, #tpu.memory_space<vmem>>
    %dma_wait3A_57 = arith.constant 0 : i32
    %dma_wait3A_58 = tpu.memref_slice %arg4[%add3A_54, %dma_wait3A_57] : memref<409600x128xf32, #tpu.memory_space<hbm>> -> memref<256x64xf32, #tpu.memory_space<hbm>>
    %dma_wait3A_59 = arith.constant 0 : i32
    %dma_wait3A_60 = tpu.memref_slice %arg4[%add3A_54, %dma_wait3A_59] : memref<409600x128xf32, #tpu.memory_space<hbm>> -> memref<256x64xf32, #tpu.memory_space<hbm>>
    %dma_wait3A_61 = arith.constant 0 : i32
    %dma_wait3A_62 = arith.constant 0 : i32
    %dma_wait3A_63 = tpu.memref_slice %arg6[%dma_wait3A_61, %dma_wait3A_62] : memref<512x64xf32, #tpu.memory_space<vmem>> -> memref<256x64xf32, #tpu.memory_space<vmem>>
    tpu.wait_dma2 semaphore(%arg10 : memref<!tpu.dma_semaphore, #tpu.memory_space<semaphore_mem>>) src(%dma_wait3A_63 : memref<256x64xf32, #tpu.memory_space<vmem>>) dst(%dma_wait3A_60 : memref<256x64xf32, #tpu.memory_space<hbm>>)
    %add3A_64 = arith.constant 12288 : i32
    %add3A_65 = arith.addi %mul3A_8, %add3A_64 : i32
    %dma_wait3A_66 = arith.constant 256 : i32
    %dma_wait3A_67 = arith.constant 0 : i32
    %dma_wait3A_68 = tpu.memref_slice %arg6[%dma_wait3A_66, %dma_wait3A_67] : memref<512x64xf32, #tpu.memory_space<vmem>> -> memref<256x64xf32, #tpu.memory_space<vmem>>
    %dma_wait3A_69 = arith.constant 64 : i32
    %dma_wait3A_70 = tpu.memref_slice %arg4[%add3A_65, %dma_wait3A_69] : memref<409600x128xf32, #tpu.memory_space<hbm>> -> memref<256x64xf32, #tpu.memory_space<hbm>>
    %dma_wait3A_71 = arith.constant 64 : i32
    %dma_wait3A_72 = tpu.memref_slice %arg4[%add3A_65, %dma_wait3A_71] : memref<409600x128xf32, #tpu.memory_space<hbm>> -> memref<256x64xf32, #tpu.memory_space<hbm>>
    %dma_wait3A_73 = arith.constant 256 : i32
    %dma_wait3A_74 = arith.constant 0 : i32
    %dma_wait3A_75 = tpu.memref_slice %arg6[%dma_wait3A_73, %dma_wait3A_74] : memref<512x64xf32, #tpu.memory_space<vmem>> -> memref<256x64xf32, #tpu.memory_space<vmem>>
    tpu.wait_dma2 semaphore(%arg10 : memref<!tpu.dma_semaphore, #tpu.memory_space<semaphore_mem>>) src(%dma_wait3A_75 : memref<256x64xf32, #tpu.memory_space<vmem>>) dst(%dma_wait3A_72 : memref<256x64xf32, #tpu.memory_space<hbm>>)
    %add3A_76 = arith.constant 12544 : i32
    %add3A_77 = arith.addi %mul3A_8, %add3A_76 : i32
    %dma_wait3A_78 = arith.constant 0 : i32
    %dma_wait3A_79 = arith.constant 0 : i32
    %dma_wait3A_80 = tpu.memref_slice %arg7[%dma_wait3A_78, %dma_wait3A_79] : memref<512x64xf32, #tpu.memory_space<vmem>> -> memref<256x64xf32, #tpu.memory_space<vmem>>
    %dma_wait3A_81 = arith.constant 0 : i32
    %dma_wait3A_82 = tpu.memref_slice %arg4[%add3A_77, %dma_wait3A_81] : memref<409600x128xf32, #tpu.memory_space<hbm>> -> memref<256x64xf32, #tpu.memory_space<hbm>>
    %dma_wait3A_83 = arith.constant 0 : i32
    %dma_wait3A_84 = tpu.memref_slice %arg4[%add3A_77, %dma_wait3A_83] : memref<409600x128xf32, #tpu.memory_space<hbm>> -> memref<256x64xf32, #tpu.memory_space<hbm>>
    %dma_wait3A_85 = arith.constant 0 : i32
    %dma_wait3A_86 = arith.constant 0 : i32
    %dma_wait3A_87 = tpu.memref_slice %arg7[%dma_wait3A_85, %dma_wait3A_86] : memref<512x64xf32, #tpu.memory_space<vmem>> -> memref<256x64xf32, #tpu.memory_space<vmem>>
    tpu.wait_dma2 semaphore(%arg11 : memref<!tpu.dma_semaphore, #tpu.memory_space<semaphore_mem>>) src(%dma_wait3A_87 : memref<256x64xf32, #tpu.memory_space<vmem>>) dst(%dma_wait3A_84 : memref<256x64xf32, #tpu.memory_space<hbm>>)
    %add3A_88 = arith.constant 12544 : i32
    %add3A_89 = arith.addi %mul3A_8, %add3A_88 : i32
    %dma_wait3A_90 = arith.constant 256 : i32
    %dma_wait3A_91 = arith.constant 0 : i32
    %dma_wait3A_92 = tpu.memref_slice %arg7[%dma_wait3A_90, %dma_wait3A_91] : memref<512x64xf32, #tpu.memory_space<vmem>> -> memref<256x64xf32, #tpu.memory_space<vmem>>
    %dma_wait3A_93 = arith.constant 64 : i32
    %dma_wait3A_94 = tpu.memref_slice %arg4[%add3A_89, %dma_wait3A_93] : memref<409600x128xf32, #tpu.memory_space<hbm>> -> memref<256x64xf32, #tpu.memory_space<hbm>>
    %dma_wait3A_95 = arith.constant 64 : i32
    %dma_wait3A_96 = tpu.memref_slice %arg4[%add3A_89, %dma_wait3A_95] : memref<409600x128xf32, #tpu.memory_space<hbm>> -> memref<256x64xf32, #tpu.memory_space<hbm>>
    %dma_wait3A_97 = arith.constant 256 : i32
    %dma_wait3A_98 = arith.constant 0 : i32
    %dma_wait3A_99 = tpu.memref_slice %arg7[%dma_wait3A_97, %dma_wait3A_98] : memref<512x64xf32, #tpu.memory_space<vmem>> -> memref<256x64xf32, #tpu.memory_space<vmem>>
    tpu.wait_dma2 semaphore(%arg11 : memref<!tpu.dma_semaphore, #tpu.memory_space<semaphore_mem>>) src(%dma_wait3A_99 : memref<256x64xf32, #tpu.memory_space<vmem>>) dst(%dma_wait3A_96 : memref<256x64xf32, #tpu.memory_space<hbm>>)
    return
  }
}

module attributes {stable_mosaic.version = 14 : i64} {
  func.func @_repack_body(%arg0: i32, %arg1: memref<4096x128xf32, #tpu.memory_space<vmem>>, %arg2: memref<2x4096x64xf32, #tpu.memory_space<vmem>>) attributes {dimension_semantics = [#tpu.dimension_semantics<arbitrary>], iteration_bounds = array<i64: 100>, scalar_prefetch = 0 : i64, scratch_operands = 0 : i64, tpu.core_type = #tpu.core_type<tc>, window_params = [{transform_indices = @transform_0, window_bounds = array<i64: 4096, 128>}, {transform_indices = @transform_1, window_bounds = array<i64: 2, 4096, 64>}]} {
    %get3A = arith.constant 0 : index
    %get3A_0 = arith.constant 0 : index
    %get3A_1 = vector.load %arg1[%get3A, %get3A_0] : memref<4096x128xf32, #tpu.memory_space<vmem>>, vector<4096x128xf32>
    %slice3A = vector.extract_strided_slice %get3A_1 {offsets = [0, 0], sizes = [4096, 64], strides = [1, 1]} : vector<4096x128xf32> to vector<4096x64xf32>
    %swap3A = arith.constant 0 : index
    %swap3A_2 = arith.constant 0 : index
    %swap3A_3 = arith.constant 0 : index
    %swap3A_4 = vector.load %arg2[%swap3A, %swap3A_2, %swap3A_3] : memref<2x4096x64xf32, #tpu.memory_space<vmem>>, vector<1x4096x64xf32>
    %swap3A_5 = vector.shape_cast %swap3A_4 : vector<1x4096x64xf32> to vector<4096x64xf32>
    %swap3A_6 = vector.shape_cast %slice3A : vector<4096x64xf32> to vector<1x4096x64xf32>
    tpu.vector_store %arg2[%swap3A, %swap3A_2, %swap3A_3], %swap3A_6 {strides = array<i32>} : memref<2x4096x64xf32, #tpu.memory_space<vmem>>, vector<1x4096x64xf32>,
    %slice3A_7 = vector.extract_strided_slice %get3A_1 {offsets = [0, 64], sizes = [4096, 64], strides = [1, 1]} : vector<4096x128xf32> to vector<4096x64xf32>
    %swap3A_8 = arith.constant 1 : index
    %swap3A_9 = arith.constant 0 : index
    %swap3A_10 = arith.constant 0 : index
    %swap3A_11 = vector.load %arg2[%swap3A_8, %swap3A_9, %swap3A_10] : memref<2x4096x64xf32, #tpu.memory_space<vmem>>, vector<1x4096x64xf32>
    %swap3A_12 = vector.shape_cast %swap3A_11 : vector<1x4096x64xf32> to vector<4096x64xf32>
    %swap3A_13 = vector.shape_cast %slice3A_7 : vector<4096x64xf32> to vector<1x4096x64xf32>
    tpu.vector_store %arg2[%swap3A_8, %swap3A_9, %swap3A_10], %swap3A_13 {strides = array<i32>} : memref<2x4096x64xf32, #tpu.memory_space<vmem>>, vector<1x4096x64xf32>,
    return
  }
  func.func @transform_0(%arg0: i32) -> (i32, i32) {
    %c0_i32 = arith.constant 0 : i32
    %c0_i32_0 = arith.constant 0 : i32
    return %arg0, %c0_i32 : i32, i32
  }
  func.func @transform_1(%arg0: i32) -> (i32, i32, i32) {
    %c0_i32 = arith.constant 0 : i32
    %c0_i32_0 = arith.constant 0 : i32
    %c0_i32_1 = arith.constant 0 : i32
    return %c0_i32, %arg0, %c0_i32_0 : i32, i32, i32
  }
}

module attributes {stable_mosaic.version = 14 : i64} {
  func.func @_table_body(%arg0: i32, %arg1: memref<64x4096xf32, #tpu.memory_space<vmem>>, %arg2: memref<2048x128xf32, #tpu.memory_space<vmem>>) attributes {dimension_semantics = [#tpu.dimension_semantics<arbitrary>], iteration_bounds = array<i64: 25>, scalar_prefetch = 0 : i64, scratch_operands = 0 : i64, tpu.core_type = #tpu.core_type<tc>, window_params = [{transform_indices = @transform_0, window_bounds = array<i64: 64, 4096>}, {transform_indices = @transform_1, window_bounds = array<i64: 2048, 128>}]} {
    %get3A = arith.constant 0 : index
    %get3A_0 = arith.constant 0 : index
    %get3A_1 = vector.load %arg1[%get3A, %get3A_0] : memref<64x4096xf32, #tpu.memory_space<vmem>>, vector<64x4096xf32>
    %transpose3A = tpu.transpose %get3A_1, [1, 0] : vector<64x4096xf32> -> vector<4096x64xf32>
    %reshape3A = vector.shape_cast %transpose3A : vector<4096x64xf32> to vector<2048x2x64xf32>
    %slice3A = vector.extract_strided_slice %reshape3A {offsets = [0, 0, 0], sizes = [2048, 1, 64], strides = [1, 1, 1]} : vector<2048x2x64xf32> to vector<2048x1x64xf32>
    %squeeze3A = vector.shape_cast %slice3A : vector<2048x1x64xf32> to vector<2048x64xf32>
    %slice3A_2 = vector.extract_strided_slice %reshape3A {offsets = [0, 1, 0], sizes = [2048, 1, 64], strides = [1, 1, 1]} : vector<2048x2x64xf32> to vector<2048x1x64xf32>
    %squeeze3A_3 = vector.shape_cast %slice3A_2 : vector<2048x1x64xf32> to vector<2048x64xf32>
    %concatenate3A = tpu.concatenate %squeeze3A, %squeeze3A_3 in 1 : vector<2048x64xf32>, vector<2048x64xf32> -> vector<2048x128xf32>
    %swap3A = arith.constant 0 : index
    %swap3A_4 = arith.constant 0 : index
    %swap3A_5 = vector.load %arg2[%swap3A, %swap3A_4] : memref<2048x128xf32, #tpu.memory_space<vmem>>, vector<2048x128xf32>
    tpu.vector_store %arg2[%swap3A, %swap3A_4], %concatenate3A {strides = array<i32>} : memref<2048x128xf32, #tpu.memory_space<vmem>>, vector<2048x128xf32>,
    return
  }
  func.func @transform_0(%arg0: i32) -> (i32, i32) {
    %c0_i32 = arith.constant 0 : i32
    %c0_i32_0 = arith.constant 0 : i32
    return %c0_i32, %arg0 : i32, i32
  }
  func.func @transform_1(%arg0: i32) -> (i32, i32) {
    %c0_i32 = arith.constant 0 : i32
    %c0_i32_0 = arith.constant 0 : i32
    return %arg0, %c0_i32 : i32, i32
  }
}

</mosaic_0001>

<sc_bundles>
// kernel: _embed.5.cloned.1.call-start
scs
__scs_entry_jumppad:
0x0: {  	(pc) =	sbr.rel $0x88, $3  }
0x1: {  	(tag) =	ssettag $0x0;
	lr =	simm.s32 $0x1  }
0x2: {  	[smem:$0x3F9F] =	sst lr;
	_ =	strace $0xD0000000  }
0x3: {  	_ = 	snop  }
0x4: {  	_ = 	snop  }
0x5: {  	_ = 	snop  }
0x6: {  	_ = 	snop  }
0x7: {  	_ = 	snop  }
__scs_overlays_trampoline_lowered:
0x8: {  	[smem:$0x3FAE] =	sst s0  }
0x9: {  	[smem:$0x3FAF] =	sst s1  }
0xa: {  	[smem:$0x3FB0] =	sst s2  }
0xb: {  	[smem:$0x3FB1] =	sst s3  }
0xc: {  	[smem:$0x3FB2] =	sst s4  }
0xd: {  	[smem:$0x3FB3] =	sst s5  }
0xe: {  	[smem:$0x3FB4] =	sst s6  }
0xf: {  	[smem:$0x3FB5] =	sst s7  }
0x10: {  	[smem:$0x3FB6] =	sst s8  }
0x11: {  	[smem:$0x3FB7] =	sst s9;
	s0 =	simm.s32 @!p0 $0x0  }
0x12: {  	s1 =	sld [smem:$0x3F9D];
	s0 =	simm.s32 @p0 $0x1  }
0x13: {  	[smem:$0x3FB8] =	sst s0;
	s0 =	simm.s32 @!p1 $0x0  }
0x14: {  	s2 =	sld [smem:$0x3F9C];
	s0 =	simm.s32 @p1 $0x1  }
0x15: {  	[smem:$0x3FB9] =	sst s0;
	s0 =	simm.s32 @!p2 $0x0  }
0x16: {  	s3 =	sld [smem:$0x3FDB];
	s0 =	simm.s32 @p2 $0x1  }
0x17: {  	s4 =	simm.s32 $0x1BF5;
	[smem:$0x3FBB] =	sst s0  }
0x18: {  	s0 =	sld [smem:$0x3F9E];
	_ =	swait.ge [sflag:s4], $0x0  }
0x19: {  	s7 =	sld [smem:$0x3F9F]  }
0x1a: {  	s8 =	sadd.s32 $0xFFFFE003, lr  }
0x1b: {  	s9 =	sadd.s32 $0xFFFFFEF7, lr;
	s5 =	simm.s32 $0xFFFFFFFF;
	p2 =	slt.u32 s8, $0xFFFFF086  }
0x1c: {  	p1 =	slt.u32 s9, $0xF7A;
	s5 =	simm.s32 @!p2 $0x0  }
0x1d: {  	s5 =	simm.s32 @p1 $0x1;
	p0 =	seq.s32 s7, s2  }
0x1e: {  	s7 =	smul.u32 @!p0 $0xF7A, s2;
	p2 =	seq.s32 @!p0 s5, $0x0  }
0x1f: {  	s9 =	smul.u32 $0xF7A, s1;
	s8 =	simm.s32 @!p0 $0x1BF5;
	p2 =	por !p2, p0  }
0x20: {  	[sflag:s8] =	ssyncset.s32 @!p0 $0xFFFFF086;
	s6 =	sadd.s32 @!p0 s3, s7;
	s7 =	simm.s32 @!p0 $0x108  }
0x21: {  	s3 =	sadd.s32 s3, s9;
	s6 =	sadd.s32 @!p0 $0x88, s6;
	s7 =	simm.s32 @p2 $0x1082  }
0x22: {  	[simem:s7], [sflag:s8] =	dma.local @!p0 [hbm:s6], $0xF7A  }
0x23: {  	s9 =	sor.u32 $0xD0000000, s2;
	s6 =	simm.s32 $0x108;
	_ =	swait.ge @!p0 [sflag:s8], $0x0  }
0x24: {  	s3 =	sadd.s32 $0x88, s3;
	s6 =	simm.s32 @!p1 $0x1082;
	[sflag:s4] =	ssyncset.s32 $0xFFFFF086  }
0x25: {  	[simem:s6], [sflag:s4] =	dma.local [hbm:s3], $0xF7A  }
0x26: {  	[smem:$0x3F9F] =	sst s1;
	(tag) =	ssettag s2;
	_ =	strace s9  }
0x27: {  	s1 =	sld [smem:$0x3FAF]  }
0x28: {  	s2 =	sld [smem:$0x3FB0]  }
0x29: {  	s4 =	sld [smem:$0x3FB2]  }
0x2a: {  	p0 =	seq.s32 s5, $0x0;
	s5 =	sld [smem:$0x3FB3]  }
0x2b: {  	s6 =	sld [smem:$0x3FB4]  }
0x2c: {  	s7 =	sld [smem:$0x3FB5]  }
0x2d: {  	s3 =	simm.s32 $0x108;
	s8 =	sld [smem:$0x3FB6]  }
0x2e: {  	s3 =	simm.s32 @!p0 $0x1082;
	s9 =	sld [smem:$0x3FB7]  }
0x2f: {  	lr =	sadd.s32 s0, s3;
	s0 =	sld [smem:$0x3FAE]  }
0x30: {  	s3 =	sld [smem:$0x3FB1]  }
0x31: {  	[smem:$0x3FBA] =	sst s10  }
0x32: {  	s10 =	sld [smem:$0x3FB8];
	_ =	sdelay $0x3  }
0x33: {  	p0 =	seq.s32 s10, $0x1;
	s10 =	sld [smem:$0x3FBA];
	_ =	sdelay $0x3  }
0x34: {  	[smem:$0x3FBA] =	sst s10  }
0x35: {  	s10 =	sld [smem:$0x3FB9];
	_ =	sdelay $0x3  }
0x36: {  	p1 =	seq.s32 s10, $0x1;
	s10 =	sld [smem:$0x3FBA];
	_ =	sdelay $0x3  }
0x37: {  	[smem:$0x3FBA] =	sst s10  }
0x38: {  	s10 =	sld [smem:$0x3FBB]  }
0x39: {  	_ = 	snop;
	(pc) =	sbr.ind lr, $3  }
0x3a: {  	_ = 	snop  }
0x3b: {  	_ = 	snop  }
0x3c: {  	p2 =	seq.s32 s10, $0x1;
	s10 =	sld [smem:$0x3FBA]  }
0x3d: {  	_ =	shalt  }
0x3e: {  	_ =	shalt  }
0x3f: {  	_ =	shalt  }
0x40: {  	_ =	shalt  }
0x41: {  	_ =	shalt  }
0x42: {  	_ =	shalt  }
0x43: {  	_ =	shalt  }
0x44: {  	_ =	shalt  }
0x45: {  	_ =	shalt  }
0x46: {  	_ =	shalt  }
0x47: {  	_ =	shalt  }
0x48: {  	_ =	shalt  }
0x49: {  	_ =	shalt  }
0x4a: {  	_ =	shalt  }
0x4b: {  	_ =	shalt  }
0x4c: {  	_ =	shalt  }
0x4d: {  	_ =	shalt  }
0x4e: {  	_ =	shalt  }
0x4f: {  	_ =	shalt  }
0x50: {  	_ =	shalt  }
0x51: {  	_ =	shalt  }
0x52: {  	_ =	shalt  }
0x53: {  	_ =	shalt  }
0x54: {  	_ =	shalt  }
0x55: {  	_ =	shalt  }
0x56: {  	_ =	shalt  }
0x57: {  	_ =	shalt  }
0x58: {  	_ =	shalt  }
0x59: {  	_ =	shalt  }
0x5a: {  	_ =	shalt  }
0x5b: {  	_ =	shalt  }
0x5c: {  	_ =	shalt  }
0x5d: {  	_ =	shalt  }
0x5e: {  	_ =	shalt  }
0x5f: {  	_ =	shalt  }
0x60: {  	_ =	shalt  }
0x61: {  	_ =	shalt  }
0x62: {  	_ =	shalt  }
0x63: {  	_ =	shalt  }
0x64: {  	_ =	shalt  }
0x65: {  	_ =	shalt  }
0x66: {  	_ =	shalt  }
0x67: {  	_ =	shalt  }
0x68: {  	_ =	shalt  }
0x69: {  	_ =	shalt  }
0x6a: {  	_ =	shalt  }
0x6b: {  	_ =	shalt  }
0x6c: {  	_ =	shalt  }
0x6d: {  	_ =	shalt  }
0x6e: {  	_ =	shalt  }
0x6f: {  	_ =	shalt  }
0x70: {  	_ =	shalt  }
0x71: {  	_ =	shalt  }
0x72: {  	_ =	shalt  }
0x73: {  	_ =	shalt  }
0x74: {  	_ =	shalt  }
0x75: {  	_ =	shalt  }
0x76: {  	_ =	shalt  }
0x77: {  	_ =	shalt  }
0x78: {  	_ =	shalt  }
0x79: {  	_ =	shalt  }
0x7a: {  	_ =	shalt  }
0x7b: {  	_ =	shalt  }
0x7c: {  	_ =	shalt  }
0x7d: {  	_ =	shalt  }
0x7e: {  	_ =	shalt  }
0x7f: {  	_ =	shalt  }
0x80: {  	_ =	shalt  }
0x81: {  	_ =	shalt  }
0x82: {  	_ =	shalt  }
0x83: {  	_ =	shalt  }
0x84: {  	_ =	shalt  }
0x85: {  	_ =	shalt  }
0x86: {  	_ =	shalt  }
0x87: {  	_ =	shalt  }
.Lfunc_end0:
.L_simem_size_0:
called_computation.1_lowered:
.L_overlay_start_0:
0x88: {  	s2 =	sld [smem:$0x3FD9]  }
0x89: {  	s3 =	sld [smem:$0x3FFE];
	_ =	sdelay $0x1  }
0x8a: {  	s1 =	srdreg.scid  }
0x8b: {  	s0 =	sand.u32 $0x1, s1  }
0x8c: {  	s17 =	sshll.u32 s0, $0xA;
	s2 =	sadd.s32 s3, s2  }
0x8d: {  	s2 =	sadd.s32 s2, s17  }
0x8e: {  	[smem:$0x3FC6] =	sst s2  }
0x8f: {  	_ = 	snop  }
0x90: {  	s2 =	sld [smem:$0x3FD0];
	(tm) =	ssettm $0x1  }
0x91: {  	s18 =	sld [smem:$0x3FFB];
	_ =	sdelay $0x3  }
0x92: {  	_ =	strace s18  }
0x93: {  	s3 =	sld [smem:$0x3FFC];
	_ =	sdelay $0x3  }
0x94: {  	_ =	strace s3  }
0x95: {  	s3 =	sld [smem:$0x3FFD];
	_ =	sdelay $0x3  }
0x96: {  	_ =	strace s3  }
0x97: {  	_ =	strace $0x8FFFFFFF  }
0x98: {  	s19 =	sld [smem:$0x3FDB];
	_ =	sdelay $0x1  }
0x99: {  	s4 =	simm.s32 $_scs_section_size  }
0x9a: {  	s5 =	simm.s32 $_size__tile_overlayer_lowered;
	s6 =	simm.s32 $_tile_overlayer_lowered  }
0x9b: {  	s22 =	simm.s32 $0x1BFF;
	s21 =	sshll.u32 s6, $0x1;
	s3 =	sadd.s32 s4, s19  }
0x9c: {  	s7 =	simm.s32 $0x0;
	s20 =	sshll.u32 s5, $0x1;
	s5 =	sadd.s32 s21, s3  }
0x9d: {  	[timem:s7], [sflag:s22] =	dma.local [hbm:s5], s20  }
0x9e: {  	_ =	swait.ge [sflag:s22], s20  }
0x9f: {  	s4 =	ssub.s32 $0x0, s20;
	[sflag:s22] =	ssyncset.done $0x0  }
0xa0: {  	[sflag:s22] =	ssyncadd.s32 s4;
	_ =	sdelay $0x1  }
0xa1: {  	s23 =	simm.s32 $0x1B8B  }
0xa2: {  	_ =	swait.ge [sflag:s23], $0x1  }
0xa3: {  	[sflag:s23] =	ssyncset.done $0x0  }
0xa4: {  	s25 =	simm.s32 $0x1B8E;
	s24 =	sld [smem:$0x3FFE];
	[sflag:s23] =	ssyncadd.s32 $0xFFFFFFFF  }
0xa5: {  	s26 =	simm.s32 $execute0_lowered;
	[smem:$0x3FD2] =	sst s25  }
0xa6: {  	s5 =	sshll.u32 s26, $0x1;
	_ =	strace $0x80000046;
	[dreg:$0x1] =	wrdreg $0xFFFFFFFF  }
0xa7: {  	s28 =	simm.s32 $_size_execute0_lowered;
	s3 =	sadd.s32 s3, s5;
	[dreg:$0x0] =	wrdreg $0x0  }
0xa8: {  	s5 =	sshll.u32 s28, $0x1;
	[dreg:$0x2] =	wrdreg s3  }
0xa9: {  	[dreg:$0x3] =	wrdreg s5  }
0xaa: {  	[dreg:$0x4] =	wrdreg $0xC0  }
0xab: {  	_ =	task [dreg:s7], $0x5FFFF  }
0xac: {  	[dreg:$0x1] =	wrdreg $0xFFFFFFFF  }
0xad: {  	[dreg:$0x0] =	wrdreg $0x60  }
0xae: {  	[dreg:$0x2] =	wrdreg s24  }
0xaf: {  	[dreg:$0x3] =	wrdreg s2  }
0xb0: {  	[dreg:$0x4] =	wrdreg $0x9  }
0xb1: {  	_ =	task.clear_ibuf [dreg:s7], $0x5FFFF;
	_ =	strace $0x90000046  }
0xb2: {  	s29 =	simm.s32 $0x9;
	_ =	strace $0x80000048  }
0xb3: {  	_ =	swait.ge [sflag:s29], $0x1  }
0xb4: {  	[sflag:s29] =	ssyncadd.s32 $0xFFFFFFFF  }
0xb5: {  	_ =	strace $0x90000048  }
0xb6: {  	_ =	sfence  }
0xb7: {  	s30 =	sld [smem:$0x0];
	_ =	sdelay $0x2  }
0xb8: {  	s31 =	sshll.u32 s1, $0xD;
	s1 =	sshrl.u32 s1, $0x2  }
0xb9: {  	s3 =	sand.u32 $0x4000, s31;
	s1 =	sadd.s32 s1, s30  }
0xba: {  	s0 =	sor.u32 s3, s0;
	s1 =	sshll.u32 s1, $0x11  }
0xbb: {  	s0 =	sor.u32 s1, s0  }
0xbc: {  	s0 =	sadd.s32 $0x8F2B, s0  }
0xbd: {  	[sflag:s0] =	ssyncadd.remote.s32 $0x1  }
0xbe: {  	_ =	sfence.sel $0xFFFF  }
0xbf: {  	[dreg:$0x0] =	wrdreg $0xFFFFFFFF;
	(pc) =	sbr.abs _section_cstart, $3  }
0xc0: {  	[dreg:$0x1] =	wrdreg $0xFFFFFFFF  }
0xc1: {  	_ =	task.clear_ibuf [dreg:s7], $0x2FFFF;
	_ =	strace $0x9FFFFFFF  }
0xc2: {  	(tm) =	ssettm $0x7FFFFFFF  }
0xc3: {  	_ =	shalt  }
tec
execute0_lowered:
.L_overlay_start_1:
0x0: {  	(tag) =	ssettag $0x1  }
0x1: {  	s1 =	rddreg [dreg:$0x0];
	s2 =	srdreg.scid  }
0x2: {  	s0 =	stileid.u32;
	s7 =	rddreg [dreg:$0x1];
	s11 =	simm.s32 $0x80  }
0x3: {  	s12 =	simm.s32 $0x6400;
	s14 =	simm.s32 $0xA400;
	s17 =	simm.s32 $0xE400  }
0x4: {  	s31 =	simm.s32 $0x10400;
	s18 =	simm.s32 $0x12400;
	s19 =	simm.s32 $0x14400  }
0x5: {  	s20 =	simm.s32 $0x1;
	s21 =	simm.s32 $0x40;
	s22 =	simm.s32 $0x2  }
0x6: {  	s23 =	simm.s32 $0x3;
	s3 =	sand.u32 $0x1, s2;
	s4 =	sshll.u32 s0, $0x1  }
0x7: {  	s2 =	simm.s32 $0x0;
	s6 =	smul.u32 $0x320000, s0;
	s8 =	sadd.s32 $0x800, s1  }
0x8: {  	s4 =	sor.u32 s3, s4;
	[smem:$0x7FF] =	sst s2;
	s10 =	smul.u32 $0x190000, s3  }
0x9: {  	s9 =	ssub.s32 $0x2, s3;
	s3 =	sadd.s32 $0x19800, s1;
	s5 =	smul.u32 $0x3200, s4  }
0xa: {  	_ =	strace $0x80000047;
	s24 =	sshrl.u32 s9, $0x1;
	s4 =	smul.u32 $0x640, s4  }
0xb: {  	[dreg:$0x3] =	wrdreg s31;
	s1 =	ssub.s32 s9, s24;
	s6 =	sadd.s32 s10, s6  }
0xc: {  	s9 =	simm.s32 $0x5;
	s10 =	simm.s32 $0x3200;
	s24 =	simm.s32 $0x4  }
0xd: {  	s5 =	sshrl.u32 s5, $0x3;
	s25 =	sadd.s32 s8, s4;
	s26 =	sor.u32 $0x8000, s6  }
0xe: {  	s29 =	sshrl.u32 s6, $0x3;
	s6 =	smax.u32 s1, $0x1;
	[dreg:$0x4] =	wrdreg s25  }
0xf: {  	s5 =	sadd.s32 s8, s5;
	s8 =	sshrl.u32 s26, $0x3;
	s30 =	sadd.s32 s29, s7  }
0x10: {  	s25 =	simm.s32 $0x0;
	s28 =	sadd.s32 $0xC800, s5;
	s8 =	sadd.s32 s8, s7  }
0x11: {  	s7 =	sadd.s32 $0x8, s30;
	[dreg:$0x5] =	wrdreg s28;
	s8 =	sadd.s32 $0x8, s8  }
.LBB2_1:
0x12: {  	s0 =	rddreg [dreg:$0x4]  }
0x13: {  	[tilespmem:s2], [sflag:$0x5] =	stream.linear.gather [hbm4b:s0+s2], $0x3200, $0x38;
	[tilespmem:$0x16400] =	vst v63  }
0x14: {  	_ =	swait.ge [sflag:s9], $0x3200  }
0x15: {  	[sflag:s9] =	ssyncset.done $0x0  }
0x16: {  	s15 =	rddreg [dreg:$0x5];
	[sflag:s9] =	ssyncadd.s32 $0xFFFFCE00  }
0x17: {  	[tilespmem:s10], [sflag:$0x5] =	stream.linear.gather [hbm4b:s15+s2], $0x3200, $0x38;
	[tilespmem:$0x16400] =	vst v63  }
0x18: {  	_ =	swait.ge [sflag:s9], $0x3200  }
0x19: {  	[sflag:s9] =	ssyncset.done $0x0  }
0x1a: {  	[sflag:s9] =	ssyncadd.s32 $0xFFFFCE00  }
0x1b: {  	[tilespmem:s12], [sflag:$0x1] =	stream.indirect.gather [hbm4b:s3+s11], $0x40, s2, s11, $0xb8;
	[tilespmem:$0x16400] =	vst v63  }
0x1c: {  	s16 =	simm.s32 $0x8400  }
0x1d: {  	[tilespmem:s16], [sflag:$0x1] =	stream.indirect.gather [hbm4b:s3+s11], $0x40, s11, s11, $0xb8;
	[tilespmem:$0x16400] =	vst v63  }
0x1e: {  	p0 =	por $0x1, $0x1  }
0x1f: {  	[tilespmem:s14], [sflag:$0x1] =	stream.indirect.gather [hbm4b:s3+s11], $0x40, s10, s11, $0xb8;
	[tilespmem:$0x16400] =	vst v63  }
0x20: {  	s26 =	simm.s32 $0x3280;
	s1 =	simm.s32 $0xC400;
	p0 =	por p0, p0  }
0x21: {  	[tilespmem:s1], [sflag:$0x1] =	stream.indirect.gather [hbm4b:s3+s11], $0x40, s26, s11, $0xb8;
	[tilespmem:$0x16400] =	vst v63  }
0x22: {  	s1 =	simm.s32 @!p0 $0x4  }
0x23: {  	_ =	swait.ge @!p0 [sflag:s1], $0x4000  }
0x24: {  	[sflag:s1] =	ssyncset.done @!p0 $0x0  }
0x25: {  	[sflag:s1] =	ssyncadd.s32 @!p0 $0xFFFFC000  }
0x26: {  	_ =	swait.ge @!p0 [sflag:s1], $0x4000  }
0x27: {  	[sflag:s1] =	ssyncset.done @!p0 $0x0  }
0x28: {  	s4 =	simm.s32 $0x100;
	[sflag:s1] =	ssyncadd.s32 @!p0 $0xFFFFC000  }
0x29: {  	[tilespmem:s17], [sflag:$0x2] =	stream.indirect.gather [hbm4b:s3+s11], $0x40, s4, s11, $0xb8;
	[tilespmem:$0x16400] =	vst v63  }
0x2a: {  	s5 =	simm.s32 $0x180;
	s26 =	rddreg [dreg:$0x3]  }
0x2b: {  	[tilespmem:s26], [sflag:$0x2] =	stream.indirect.gather [hbm4b:s3+s11], $0x40, s5, s11, $0xb8;
	[tilespmem:$0x16400] =	vst v63  }
0x2c: {  	s13 =	simm.s32 $0x3300  }
0x2d: {  	[tilespmem:s18], [sflag:$0x2] =	stream.indirect.gather [hbm4b:s3+s11], $0x40, s13, s11, $0xb8;
	[tilespmem:$0x16400] =	vst v63  }
0x2e: {  	s15 =	simm.s32 $0x3380  }
0x2f: {  	[tilespmem:s19], [sflag:$0x2] =	stream.indirect.gather [hbm4b:s3+s11], $0x40, s15, s11, $0xb8;
	[tilespmem:$0x16400] =	vst v63  }
0x30: {  	_ =	swait.ge [sflag:s20], $0x2000  }
0x31: {  	[sflag:s20] =	ssyncset.done $0x0  }
0x32: {  	[sflag:s20] =	ssyncadd.s32 $0xFFFFE000  }
0x33: {  	_ =	swait.ge [sflag:s20], $0x2000  }
0x34: {  	[sflag:s20] =	ssyncset.done $0x0  }
0x35: {  	[sflag:s20] =	ssyncadd.s32 $0xFFFFE000  }
0x36: {  	_ =	swait.ge [sflag:s20], $0x2000  }
0x37: {  	[sflag:s20] =	ssyncset.done $0x0  }
0x38: {  	[sflag:s20] =	ssyncadd.s32 $0xFFFFE000  }
0x39: {  	_ =	swait.ge [sflag:s20], $0x2000  }
0x3a: {  	[sflag:s20] =	ssyncset.done $0x0  }
0x3b: {  	s16 =	sadd.s32 $0xFFFFFFF8, s7;
	p0 =	por $0x0, $0x0;
	[sflag:s20] =	ssyncadd.s32 $0xFFFFE000  }
0x3c: {  	[hbm4b:s16+s21] =	stream.strided.scatter [tilespmem:s12], [sflag:$0x3], $0x4000, s11, s21, $0x38;
	[tilespmem:$0x16400] =	vst v63  }
0x3d: {  	s1 =	simm.s32 @!p0 $0x3  }
0x3e: {  	[hbm4b:s7+s21] =	stream.strided.scatter [tilespmem:s14], [sflag:$0x3], $0x4000, s11, s21, $0x38;
	[tilespmem:$0x16400] =	vst v63  }
0x3f: {  	_ =	swait.ge @!p0 [sflag:s1], $0x4000  }
0x40: {  	[sflag:s1] =	ssyncset.done @!p0 $0x0  }
0x41: {  	[sflag:s1] =	ssyncadd.s32 @!p0 $0xFFFFC000  }
0x42: {  	_ =	swait.ge @!p0 [sflag:s1], $0x4000  }
0x43: {  	s28 =	simm.s32 @!p0 $0x80;
	[sflag:s1] =	ssyncset.done @!p0 $0x0  }
0x44: {  	s29 =	simm.s32 @!p0 $0x6400;
	s26 =	simm.s32 @!p0 $0x200;
	[sflag:s1] =	ssyncadd.s32 @!p0 $0xFFFFC000  }
0x45: {  	[tilespmem:s29], [sflag:$0x1] =	stream.indirect.gather @!p0 [hbm4b:s3+s28], $0x40, s26, s28, $0xb8;
	[tilespmem:$0x16400] =	vst v63  }
0x46: {  	s1 =	simm.s32 @!p0 $0x280;
	s26 =	simm.s32 @!p0 $0x8400  }
0x47: {  	[tilespmem:s26], [sflag:$0x1] =	stream.indirect.gather @!p0 [hbm4b:s3+s28], $0x40, s1, s28, $0xb8;
	[tilespmem:$0x16400] =	vst v63  }
0x48: {  	s1 =	simm.s32 @!p0 $0x3400;
	s26 =	simm.s32 @!p0 $0xA400  }
0x49: {  	[tilespmem:s26], [sflag:$0x1] =	stream.indirect.gather @!p0 [hbm4b:s3+s28], $0x40, s1, s28, $0xb8;
	[tilespmem:$0x16400] =	vst v63  }
0x4a: {  	s1 =	simm.s32 @!p0 $0x3480;
	s26 =	simm.s32 @!p0 $0xC400  }
0x4b: {  	[tilespmem:s26], [sflag:$0x1] =	stream.indirect.gather @!p0 [hbm4b:s3+s28], $0x40, s1, s28, $0xb8;
	[tilespmem:$0x16400] =	vst v63  }
0x4c: {  	_ =	swait.ge [sflag:s22], $0x2000  }
0x4d: {  	[sflag:s22] =	ssyncset.done $0x0  }
0x4e: {  	[sflag:s22] =	ssyncadd.s32 $0xFFFFE000  }
0x4f: {  	_ =	swait.ge [sflag:s22], $0x2000  }
0x50: {  	[sflag:s22] =	ssyncset.done $0x0  }
0x51: {  	[sflag:s22] =	ssyncadd.s32 $0xFFFFE000  }
0x52: {  	_ =	swait.ge [sflag:s22], $0x2000  }
0x53: {  	[sflag:s22] =	ssyncset.done $0x0  }
0x54: {  	[sflag:s22] =	ssyncadd.s32 $0xFFFFE000  }
0x55: {  	p6 =	por $0x0, $0x0;
	_ =	swait.ge [sflag:s22], $0x2000  }
0x56: {  	s30 =	simm.s32 $0x1000;
	s31 =	smov.u32 s8;
	[sflag:s22] =	ssyncset.done $0x0  }
0x57: {  	s29 =	sadd.s32 $0x2000, s7;
	s26 =	sadd.s32 $0xFFFFFFF8, s8;
	[sflag:s22] =	ssyncadd.s32 $0xFFFFE000  }
0x58: {  	[hbm4b:s26+s21] =	stream.strided.scatter [tilespmem:s17], [sflag:$0x4], $0x4000, s11, s21, $0x38;
	[tilespmem:$0x16400] =	vst v63  }
0x59: {  	s28 =	simm.s32 $0x800;
	p0 =	por p6, p6;
	s26 =	sadd.s32 $0x2000, s8  }
.LBB2_2:
0x5a: {  	s0 =	simm.s32 @!p0 $0x4  }
0x5b: {  	[hbm4b:s31+s21] =	stream.strided.scatter [tilespmem:s18], [sflag:$0x4], $0x4000, s11, s21, $0x38;
	[tilespmem:$0x16400] =	vst v63  }
0x5c: {  	_ =	swait.ge @!p0 [sflag:s0], $0x4000  }
0x5d: {  	[sflag:s0] =	ssyncset.done @!p0 $0x0  }
0x5e: {  	[sflag:s0] =	ssyncadd.s32 @!p0 $0xFFFFC000  }
0x5f: {  	_ =	swait.ge @!p0 [sflag:s0], $0x4000  }
0x60: {  	s13 =	sshra.s32 s28, $0x2;
	[sflag:s0] =	ssyncset.done @!p0 $0x0  }
0x61: {  	s16 =	sadd.s32 $0x100, s13;
	[sflag:s0] =	ssyncadd.s32 @!p0 $0xFFFFC000  }
0x62: {  	[tilespmem:s17], [sflag:$0x2] =	stream.indirect.gather [hbm4b:s3+s11], $0x40, s16, s11, $0xb8;
	[tilespmem:$0x16400] =	vst v63  }
0x63: {  	s4 =	sadd.s32 $0x180, s13;
	s15 =	rddreg [dreg:$0x3]  }
0x64: {  	[tilespmem:s15], [sflag:$0x2] =	stream.indirect.gather [hbm4b:s3+s11], $0x40, s4, s11, $0xb8;
	[tilespmem:$0x16400] =	vst v63  }
0x65: {  	s5 =	sadd.s32 $0x3300, s13  }
0x66: {  	[tilespmem:s18], [sflag:$0x2] =	stream.indirect.gather [hbm4b:s3+s11], $0x40, s5, s11, $0xb8;
	[tilespmem:$0x16400] =	vst v63  }
0x67: {  	s13 =	sadd.s32 $0x3380, s13  }
0x68: {  	[tilespmem:s19], [sflag:$0x2] =	stream.indirect.gather [hbm4b:s3+s11], $0x40, s13, s11, $0xb8;
	[tilespmem:$0x16400] =	vst v63  }
0x69: {  	_ =	swait.ge [sflag:s20], $0x2000  }
0x6a: {  	[sflag:s20] =	ssyncset.done $0x0  }
0x6b: {  	[sflag:s20] =	ssyncadd.s32 $0xFFFFE000  }
0x6c: {  	_ =	swait.ge [sflag:s20], $0x2000  }
0x6d: {  	[sflag:s20] =	ssyncset.done $0x0  }
0x6e: {  	[sflag:s20] =	ssyncadd.s32 $0xFFFFE000  }
0x6f: {  	_ =	swait.ge [sflag:s20], $0x2000  }
0x70: {  	[sflag:s20] =	ssyncset.done $0x0  }
0x71: {  	[sflag:s20] =	ssyncadd.s32 $0xFFFFE000  }
0x72: {  	p2 =	seq.s32 s30, $0x0;
	_ =	swait.ge [sflag:s20], $0x2000  }
0x73: {  	p0 =	por p2, p2;
	[sflag:s20] =	ssyncset.done $0x0  }
0x74: {  	p2 =	seq.s32 s28, $0xC000;
	s15 =	sadd.s32 $0xFFFFFFF8, s29;
	[sflag:s20] =	ssyncadd.s32 $0xFFFFE000  }
0x75: {  	[hbm4b:s15+s21] =	stream.strided.scatter [tilespmem:s12], [sflag:$0x3], $0x4000, s11, s21, $0x38;
	[tilespmem:$0x16400] =	vst v63  }
0x76: {  	s0 =	simm.s32 @!p2 $0x3  }
0x77: {  	[hbm4b:s29+s21] =	stream.strided.scatter [tilespmem:s14], [sflag:$0x3], $0x4000, s11, s21, $0x38;
	[tilespmem:$0x16400] =	vst v63  }
0x78: {  	_ =	swait.ge @!p2 [sflag:s0], $0x4000  }
0x79: {  	[sflag:s0] =	ssyncset.done @!p2 $0x0  }
0x7a: {  	[sflag:s0] =	ssyncadd.s32 @!p2 $0xFFFFC000  }
0x7b: {  	s1 =	smov.u32 s30;
	s4 =	simm.s32 @!p2 $0x80;
	_ =	swait.ge @!p2 [sflag:s0], $0x4000  }
0x7c: {  	s5 =	simm.s32 @!p2 $0x6400;
	s13 =	sshra.s32 @!p2 s28, $0x2;
	[sflag:s0] =	ssyncset.done @!p2 $0x0  }
0x7d: {  	s28 =	smov.u32 s1;
	s1 =	sadd.s32 @!p2 $0x200, s13;
	[sflag:s0] =	ssyncadd.s32 @!p2 $0xFFFFC000  }
0x7e: {  	[tilespmem:s5], [sflag:$0x1] =	stream.indirect.gather @!p2 [hbm4b:s3+s4], $0x40, s1, s4, $0xb8;
	[tilespmem:$0x16400] =	vst v63  }
0x7f: {  	s15 =	sadd.s32 @!p2 $0x280, s13;
	s0 =	simm.s32 @!p2 $0x8400  }
0x80: {  	[tilespmem:s0], [sflag:$0x1] =	stream.indirect.gather @!p2 [hbm4b:s3+s4], $0x40, s15, s4, $0xb8;
	[tilespmem:$0x16400] =	vst v63  }
0x81: {  	s16 =	sadd.s32 @!p2 $0x3400, s13;
	s1 =	simm.s32 @!p2 $0xA400  }
0x82: {  	[tilespmem:s1], [sflag:$0x1] =	stream.indirect.gather @!p2 [hbm4b:s3+s4], $0x40, s16, s4, $0xb8;
	[tilespmem:$0x16400] =	vst v63  }
0x83: {  	s13 =	sadd.s32 @!p2 $0x3480, s13;
	s0 =	simm.s32 @!p2 $0xC400  }
0x84: {  	[tilespmem:s0], [sflag:$0x1] =	stream.indirect.gather @!p2 [hbm4b:s3+s4], $0x40, s13, s4, $0xb8;
	[tilespmem:$0x16400] =	vst v63  }
0x85: {  	_ =	swait.ge [sflag:s22], $0x2000  }
0x86: {  	[sflag:s22] =	ssyncset.done $0x0  }
0x87: {  	[sflag:s22] =	ssyncadd.s32 $0xFFFFE000  }
0x88: {  	_ =	swait.ge [sflag:s22], $0x2000  }
0x89: {  	[sflag:s22] =	ssyncset.done $0x0  }
0x8a: {  	[sflag:s22] =	ssyncadd.s32 $0xFFFFE000  }
0x8b: {  	s30 =	sadd.s32 $0x800, s30;
	_ =	swait.ge [sflag:s22], $0x2000  }
0x8c: {  	p1 =	sne.s32 s30, $0xC800;
	[sflag:s22] =	ssyncset.done $0x0  }
.Ltmp0:
0x8d: {  	[sflag:s22] =	ssyncadd.s32 $0xFFFFE000;
	(pc) =	sbr.rel @p1 .LBB2_2-.Ltmp0, $4  }
0x8e: {  	_ =	swait.ge [sflag:s22], $0x2000  }
0x8f: {  	s31 =	smov.u32 s26;
	s29 =	sadd.s32 $0x2000, s29;
	[sflag:s22] =	ssyncset.done $0x0  }
0x90: {  	s16 =	sadd.s32 $0xFFFFFFF8, s26;
	s26 =	sadd.s32 $0x2000, s26;
	[sflag:s22] =	ssyncadd.s32 $0xFFFFE000  }
0x91: {  	[hbm4b:s16+s21] =	stream.strided.scatter [tilespmem:s17], [sflag:$0x4], $0x4000, s11, s21, $0x38;
	[tilespmem:$0x16400] =	vst v63  }
0x92: {  	s0 =	simm.s32 @!p0 $0x4  }
0x93: {  	[hbm4b:s31+s21] =	stream.strided.scatter [tilespmem:s18], [sflag:$0x4], $0x4000, s11, s21, $0x38;
	[tilespmem:$0x16400] =	vst v63  }
0x94: {  	_ =	swait.ge @!p0 [sflag:s0], $0x4000  }
0x95: {  	[sflag:s0] =	ssyncset.done @!p0 $0x0  }
0x96: {  	[sflag:s0] =	ssyncadd.s32 @!p0 $0xFFFFC000  }
0x97: {  	_ =	swait.ge @!p0 [sflag:s0], $0x4000  }
0x98: {  	s1 =	sshra.s32 s28, $0x2;
	[sflag:s0] =	ssyncset.done @!p0 $0x0  }
0x99: {  	s5 =	sadd.s32 $0x100, s1;
	[sflag:s0] =	ssyncadd.s32 @!p0 $0xFFFFC000  }
0x9a: {  	[tilespmem:s17], [sflag:$0x2] =	stream.indirect.gather [hbm4b:s3+s11], $0x40, s5, s11, $0xb8;
	[tilespmem:$0x16400] =	vst v63  }
0x9b: {  	s13 =	sadd.s32 $0x180, s1;
	s4 =	rddreg [dreg:$0x3]  }
0x9c: {  	[tilespmem:s4], [sflag:$0x2] =	stream.indirect.gather [hbm4b:s3+s11], $0x40, s13, s11, $0xb8;
	[tilespmem:$0x16400] =	vst v63  }
0x9d: {  	s15 =	sadd.s32 $0x3300, s1  }
0x9e: {  	[tilespmem:s18], [sflag:$0x2] =	stream.indirect.gather [hbm4b:s3+s11], $0x40, s15, s11, $0xb8;
	[tilespmem:$0x16400] =	vst v63  }
0x9f: {  	s16 =	sadd.s32 $0x3380, s1  }
0xa0: {  	[tilespmem:s19], [sflag:$0x2] =	stream.indirect.gather [hbm4b:s3+s11], $0x40, s16, s11, $0xb8;
	[tilespmem:$0x16400] =	vst v63  }
0xa1: {  	_ =	swait.ge [sflag:s20], $0x2000  }
0xa2: {  	[sflag:s20] =	ssyncset.done $0x0  }
0xa3: {  	[sflag:s20] =	ssyncadd.s32 $0xFFFFE000  }
0xa4: {  	_ =	swait.ge [sflag:s20], $0x2000  }
0xa5: {  	[sflag:s20] =	ssyncset.done $0x0  }
0xa6: {  	[sflag:s20] =	ssyncadd.s32 $0xFFFFE000  }
0xa7: {  	_ =	swait.ge [sflag:s20], $0x2000  }
0xa8: {  	[sflag:s20] =	ssyncset.done $0x0  }
0xa9: {  	[sflag:s20] =	ssyncadd.s32 $0xFFFFE000  }
0xaa: {  	_ =	swait.ge [sflag:s20], $0x2000  }
0xab: {  	[sflag:s20] =	ssyncset.done $0x0  }
0xac: {  	s30 =	sadd.s32 $0xFFFFFFF8, s29;
	p0 =	seq.s32 s28, $0xC000;
	[sflag:s20] =	ssyncadd.s32 $0xFFFFE000  }
0xad: {  	[hbm4b:s30+s21] =	stream.strided.scatter [tilespmem:s12], [sflag:$0x3], $0x4000, s11, s21, $0x38;
	[tilespmem:$0x16400] =	vst v63  }
0xae: {  	s0 =	simm.s32 @!p0 $0x3  }
0xaf: {  	[hbm4b:s29+s21] =	stream.strided.scatter [tilespmem:s14], [sflag:$0x3], $0x4000, s11, s21, $0x38;
	[tilespmem:$0x16400] =	vst v63  }
0xb0: {  	_ =	swait.ge @!p0 [sflag:s0], $0x4000  }
0xb1: {  	[sflag:s0] =	ssyncset.done @!p0 $0x0  }
0xb2: {  	[sflag:s0] =	ssyncadd.s32 @!p0 $0xFFFFC000  }
0xb3: {  	_ =	swait.ge @!p0 [sflag:s0], $0x4000  }
0xb4: {  	s1 =	sshra.s32 @!p0 s28, $0x2;
	s5 =	simm.s32 @!p0 $0x80;
	[sflag:s0] =	ssyncset.done @!p0 $0x0  }
0xb5: {  	s4 =	sadd.s32 @!p0 $0x200, s1;
	s13 =	simm.s32 @!p0 $0x6400;
	[sflag:s0] =	ssyncadd.s32 @!p0 $0xFFFFC000  }
0xb6: {  	[tilespmem:s13], [sflag:$0x1] =	stream.indirect.gather @!p0 [hbm4b:s3+s5], $0x40, s4, s5, $0xb8;
	[tilespmem:$0x16400] =	vst v63  }
0xb7: {  	s0 =	sadd.s32 @!p0 $0x280, s1;
	s4 =	simm.s32 @!p0 $0x8400  }
0xb8: {  	[tilespmem:s4], [sflag:$0x1] =	stream.indirect.gather @!p0 [hbm4b:s3+s5], $0x40, s0, s5, $0xb8;
	[tilespmem:$0x16400] =	vst v63  }
0xb9: {  	s0 =	sadd.s32 @!p0 $0x3400, s1;
	s4 =	simm.s32 @!p0 $0xA400  }
0xba: {  	[tilespmem:s4], [sflag:$0x1] =	stream.indirect.gather @!p0 [hbm4b:s3+s5], $0x40, s0, s5, $0xb8;
	[tilespmem:$0x16400] =	vst v63  }
0xbb: {  	s0 =	sadd.s32 @!p0 $0x3480, s1;
	s1 =	simm.s32 @!p0 $0xC400  }
0xbc: {  	[tilespmem:s1], [sflag:$0x1] =	stream.indirect.gather @!p0 [hbm4b:s3+s5], $0x40, s0, s5, $0xb8;
	[tilespmem:$0x16400] =	vst v63  }
0xbd: {  	_ =	swait.ge [sflag:s22], $0x2000  }
0xbe: {  	[sflag:s22] =	ssyncset.done $0x0  }
0xbf: {  	[sflag:s22] =	ssyncadd.s32 $0xFFFFE000  }
0xc0: {  	_ =	swait.ge [sflag:s22], $0x2000  }
0xc1: {  	[sflag:s22] =	ssyncset.done $0x0  }
0xc2: {  	[sflag:s22] =	ssyncadd.s32 $0xFFFFE000  }
0xc3: {  	_ =	swait.ge [sflag:s22], $0x2000  }
0xc4: {  	[sflag:s22] =	ssyncset.done $0x0  }
0xc5: {  	[sflag:s22] =	ssyncadd.s32 $0xFFFFE000  }
0xc6: {  	_ =	swait.ge [sflag:s22], $0x2000  }
0xc7: {  	[sflag:s22] =	ssyncset.done $0x0  }
0xc8: {  	s31 =	sadd.s32 $0xFFFFFFF8, s26;
	[sflag:s22] =	ssyncadd.s32 $0xFFFFE000  }
0xc9: {  	[hbm4b:s31+s21] =	stream.strided.scatter [tilespmem:s17], [sflag:$0x4], $0x4000, s11, s21, $0x38;
	[tilespmem:$0x16400] =	vst v63  }
0xca: {  	_ = 	snop  }
0xcb: {  	[hbm4b:s26+s21] =	stream.strided.scatter [tilespmem:s18], [sflag:$0x4], $0x4000, s11, s21, $0x38;
	[tilespmem:$0x16400] =	vst v63  }
0xcc: {  	_ =	swait.ge [sflag:s23], $0x4000  }
0xcd: {  	[sflag:s23] =	ssyncset.done $0x0  }
0xce: {  	[sflag:s23] =	ssyncadd.s32 $0xFFFFC000  }
0xcf: {  	_ =	swait.ge [sflag:s23], $0x4000  }
0xd0: {  	[sflag:s23] =	ssyncset.done $0x0  }
0xd1: {  	s25 =	sadd.s32 $0x1, s25;
	[sflag:s23] =	ssyncadd.s32 $0xFFFFC000  }
0xd2: {  	p0 =	sne.s32 s25, s6;
	_ =	swait.ge [sflag:s24], $0x4000  }
.Ltmp1:
0xd3: {  	[sflag:s24] =	ssyncset.done $0x0;
	(pc) =	sbr.rel @p0 .LBB2_1-.Ltmp1, $4  }
0xd4: {  	[sflag:s24] =	ssyncadd.s32 $0xFFFFC000  }
0xd5: {  	_ =	swait.ge [sflag:s24], $0x4000  }
0xd6: {  	[sflag:s24] =	ssyncset.done $0x0  }
0xd7: {  	[sflag:s24] =	ssyncadd.s32 $0xFFFFC000  }
0xd8: {  	_ =	sfence.sel $0x180000  }
0xd9: {  	[bflag:$0x0] =	sbarrier.arrive $0xFFFF  }
0xda: {  	_ =	strace $0x90000047  }
0xdb: {  	s0 =	stileid.u32;
	[bflag:$0x2] =	sbarrier.arrive $0xFFFF  }
0xdc: {  	p0 =	sne.s32 s0, $0x0;
	s0 =	rddreg [dreg:$0x2]  }
0xdd: {  	s0 =	sadd.s32 @!p0 $0x100000, s0  }
0xde: {  	[sflag:s0] =	ssyncadd.tile.s32 @!p0 $0x1;
	_ =	shalt  }
.Lfunc_end2:
_tile_overlayer_lowered:
.L_overlay_start_2:
0xdf: {  	(tag) =	ssettag $0x2  }
0xe0: {  	s0 =	rddreg [dreg:$0x0];
	s2 =	stileid.u32  }
0xe1: {  	s1 =	rddreg [dreg:$0x1];
	p0 =	sne.s32 s2, $0x0  }
0xe2: {  	s3 =	rddreg [dreg:$0x2];
	[bflag:$0x3] =	sbarrier.arrive $0xFFFF;
	s2 =	simm.s32 @!p0 $0x1C05  }
0xe3: {  	[timem:s3], [sflag:s2] =	dma.local @!p0 [hbm:s0], s1  }
0xe4: {  	s0 =	simm.s32 @!p0 $0x5  }
0xe5: {  	_ =	swait.ge @!p0 [sflag:s0], s1  }
0xe6: {  	s1 =	ssub.s32 @!p0 $0x0, s1;
	[sflag:s0] =	ssyncset.done @!p0 $0x0  }
0xe7: {  	[sflag:s0] =	ssyncadd.s32 @!p0 s1  }
0xe8: {  	[bflag:$0x3] =	sbarrier.arrive $0xFFFF  }
0xe9: {  	_ =	shalt  }

// kernel: sparse-core-data-format-call.cloned.1.call-start
scs
called_computation_lowered:
.L_overlay_start_0:
0x0: {  	s2 =	sld [smem:$0x3FD9]  }
0x1: {  	s3 =	sld [smem:$0x3FFE];
	_ =	sdelay $0x1  }
0x2: {  	s1 =	srdreg.scid  }
0x3: {  	s0 =	sand.u32 $0x1, s1  }
0x4: {  	s18 =	sshll.u32 s0, $0xA;
	s2 =	sadd.s32 s3, s2  }
0x5: {  	s2 =	sadd.s32 s2, s18  }
0x6: {  	[smem:$0x3FC6] =	sst s2  }
0x7: {  	_ = 	snop  }
0x8: {  	s2 =	sld [smem:$0x3FD0];
	(tm) =	ssettm $0x1  }
0x9: {  	s19 =	sld [smem:$0x3FFB];
	_ =	sdelay $0x3  }
0xa: {  	_ =	strace s19  }
0xb: {  	s3 =	sld [smem:$0x3FFC];
	_ =	sdelay $0x3  }
0xc: {  	_ =	strace s3  }
0xd: {  	s3 =	sld [smem:$0x3FFD];
	_ =	sdelay $0x3  }
0xe: {  	_ =	strace s3  }
0xf: {  	_ =	strace $0x8FFFFFFF  }
0x10: {  	s20 =	sld [smem:$0x3FDB];
	_ =	sdelay $0x1  }
0x11: {  	s4 =	simm.s32 $_scs_section_size  }
0x12: {  	s5 =	simm.s32 $_size__tile_overlayer_lowered;
	s6 =	simm.s32 $_tile_overlayer_lowered  }
0x13: {  	s23 =	simm.s32 $0x1BFF;
	s22 =	sshll.u32 s6, $0x1;
	s3 =	sadd.s32 s4, s20  }
0x14: {  	s7 =	simm.s32 $0x0;
	s21 =	sshll.u32 s5, $0x1;
	s5 =	sadd.s32 s22, s3  }
0x15: {  	[timem:s7], [sflag:s23] =	dma.local [hbm:s5], s21  }
0x16: {  	_ =	swait.ge [sflag:s23], s21  }
0x17: {  	s4 =	ssub.s32 $0x0, s21;
	[sflag:s23] =	ssyncset.done $0x0  }
0x18: {  	[sflag:s23] =	ssyncadd.s32 s4;
	_ =	sdelay $0x1  }
0x19: {  	s24 =	simm.s32 $0x1B8B  }
0x1a: {  	_ =	swait.ge [sflag:s24], $0x1  }
0x1b: {  	[sflag:s24] =	ssyncset.done $0x0  }
0x1c: {  	s26 =	simm.s32 $0x1B8E;
	s25 =	sld [smem:$0x3FFE];
	[sflag:s24] =	ssyncadd.s32 $0xFFFFFFFF  }
0x1d: {  	s27 =	simm.s32 $execute0_lowered;
	[smem:$0x3FD2] =	sst s26  }
0x1e: {  	s5 =	sshll.u32 s27, $0x1;
	_ =	strace $0x80000049;
	[dreg:$0x1] =	wrdreg $0xFFFFFFFF  }
0x1f: {  	s28 =	simm.s32 $_size_execute0_lowered;
	s3 =	sadd.s32 s3, s5;
	[dreg:$0x0] =	wrdreg $0x0  }
0x20: {  	s5 =	sshll.u32 s28, $0x1;
	[dreg:$0x2] =	wrdreg s3  }
0x21: {  	[dreg:$0x3] =	wrdreg s5  }
0x22: {  	[dreg:$0x4] =	wrdreg $0xC0  }
0x23: {  	_ =	task [dreg:s7], $0x5FFFF  }
0x24: {  	[dreg:$0x1] =	wrdreg $0xFFFFFFFF  }
0x25: {  	[dreg:$0x0] =	wrdreg $0x60  }
0x26: {  	[dreg:$0x2] =	wrdreg s25  }
0x27: {  	[dreg:$0x3] =	wrdreg s2  }
0x28: {  	[dreg:$0x4] =	wrdreg $0x9  }
0x29: {  	_ =	task.clear_ibuf [dreg:s7], $0x5FFFF;
	_ =	strace $0x90000049  }
0x2a: {  	s29 =	simm.s32 $0x9;
	_ =	strace $0x8000004B  }
0x2b: {  	_ =	swait.ge [sflag:s29], $0x1  }
0x2c: {  	[sflag:s29] =	ssyncadd.s32 $0xFFFFFFFF  }
0x2d: {  	_ =	strace $0x9000004B  }
0x2e: {  	_ =	sfence  }
0x2f: {  	s30 =	sld [smem:$0x0];
	_ =	sdelay $0x2  }
0x30: {  	s31 =	sshll.u32 s1, $0xD;
	s1 =	sshrl.u32 s1, $0x2  }
0x31: {  	s3 =	sand.u32 $0x4000, s31;
	s1 =	sadd.s32 s1, s30  }
0x32: {  	s0 =	sor.u32 s3, s0;
	s1 =	sshll.u32 s1, $0x11  }
0x33: {  	s0 =	sor.u32 s1, s0  }
0x34: {  	s0 =	sadd.s32 $0x8F2B, s0  }
0x35: {  	[sflag:s0] =	ssyncadd.remote.s32 $0x1  }
0x36: {  	_ =	sfence.sel $0xFFFF  }
0x37: {  	[dreg:$0x0] =	wrdreg $0xFFFFFFFF;
	(pc) =	sbr.abs _section_cstart, $3  }
0x38: {  	[dreg:$0x1] =	wrdreg $0xFFFFFFFF  }
0x39: {  	_ =	task.clear_ibuf [dreg:s7], $0x2FFFF;
	_ =	strace $0x9FFFFFFF  }
0x3a: {  	(tm) =	ssettm $0x7FFFFFFF  }
0x3b: {  	_ =	shalt  }
tec
execute0_lowered:
.L_overlay_start_1:
0x0: {  	(tag) =	ssettag $0x1  }
0x1: {  	s0 =	srdreg.scid  }
0x2: {  	s1 =	sshll.u32 s0, $0x4  }
0x3: {  	s0 =	stileid.u32;
	s1 =	sand.u32 $0x10, s1  }
0x4: {  	s1 =	sor.u32 s0, s1  }
0x5: {  	s6 =	rddreg [dreg:$0x0];
	s4 =	simm.s32 $0x1;
	s2 =	sshll.u32 s1, $0x7  }
0x6: {  	s7 =	simm.s32 $0x2;
	s12 =	simm.s32 $0x0;
	s1 =	ssub.s32 $0x1000, s2  }
0x7: {  	s8 =	simm.s32 $0x8000;
	s13 =	simm.s32 $0x0;
	s3 =	sand.u32 $0xF80, s1  }
0x8: {  	s9 =	simm.s32 $0x0;
	s5 =	sshrl.u32 s1, $0xC;
	p0 =	sne.s32 s3, $0x0  }
.Ltmp0:
0x9: {  	s1 =	rddreg [dreg:$0x2];
	s4 =	simm.s32 @!p0 $0x0;
	(pc) =	sbr.rel .LBB1_1-.Ltmp0, $4  }
0xa: {  	s11 =	simm.s32 $0x0;
	s3 =	rddreg [dreg:$0x1];
	s5 =	sadd.s32 s4, s5  }
0xb: {  	_ =	strace $0x8000004A;
	s4 =	simm.s32 $0x1;
	s5 =	smul.u32 $0xC8, s5  }
0xc: {  	s6 =	sadd.s32 $0x800, s6;
	s10 =	smov.u32 s2;
	[sflag:s4] =	ssyncpa.u1 $0x0  }
0xd: {  	p0 =	por $0x0, $0x0;
	[sflag:s7] =	ssyncpa.u1 $0x0;
	s7 =	sor.u32 $0x1, s5  }
.LBB1_4:
0xe: {  	s16 =	sshll.u32 s13, $0x3;
	s17 =	sand.u32 $0x78, s13  }
0xf: {  	s30 =	sand.u32 $0x7E00, s13;
	s12 =	sshll.u32 s12, $0xF;
	s16 =	sand.u32 $0xC00, s16  }
0x10: {  	[tilespmem:s15+$0x810 ss:$0x81] =	vst.msk $0xffff, v2;
	s31 =	sand.u32 $0x7, s13;
	s16 =	sor.u32 s17, s16;
	s17 =	sadd.s32 s3, s30  }
0x11: {  	[tilespmem:s15+$0x1020 ss:$0x81] =	vst.msk $0xffff, v0;
	s13 =	sshll.u32 s31, $0x12;
	s12 =	sadd.s32 s12, s17;
	s16 =	sshrl.u32 s16, $0x3  }
0x12: {  	[tilespmem:s15+$0x0 ss:$0x81] =	vst.msk $0xffff, v1;
	s13 =	sor.u32 $0x400, s13;
	s12 =	sadd.s32 s16, s12  }
0x13: {  	[hbm4b:s12+s13] =	stream.strided.scatter [tilespmem:s14], [sflag:$0x2], $0x2000, s8, s13, $0x20;
	[tilespmem:$0x8080] =	vst v63  }
.LBB1_5:
0x14: {  	s14 =	sadd.s32 $0x1, s9  }
0x15: {  	s12 =	sadd.s32 $0x1000, s10;
	s16 =	smov.u32 s10;
	p2 =	sgt.s32 s14, $0xC7  }
0x16: {  	s16 =	smov.u32 @p2 s12  }
0x17: {  	s14 =	simm.s32 @p2 $0x0;
	p2 =	sgt.s32 s16, $0xFFF  }
0x18: {  	s16 =	smov.u32 @p2 s2;
	p2 =	sne.s32 s11, s7  }
.Ltmp1:
0x19: {  	p1 =	slt.u32 s11, $0x2;
	(pc) =	sbr.rel @!p2 .LBB1_6-.Ltmp1, $4  }
0x1a: {  	s15 =	simm.s32 @!p1 $0x2  }
0x1b: {  	s13 =	smov.u32 s10;
	p0 =	por !p0, !p0;
	_ =	swait.ge @!p1 [sflag:s15], $0x2000  }
0x1c: {  	s12 =	smov.u32 s9;
	[sflag:s15] =	ssyncset.done @!p1 $0x0;
	s9 =	smov.u32 s14  }
0x1d: {  	s11 =	sadd.s32 $0x1, s11;
	[sflag:s15] =	ssyncadd.s32 @!p1 $0xFFFFE000;
	s10 =	smov.u32 s16  }
.LBB1_1:
0x1e: {  	p1 =	sge.u32 s11, s5  }
0x1f: {  	s14 =	sand.u32 @!p1 $0x1FFFFFF, s9  }
0x20: {  	s15 =	smulhi.u32 @!p1 $0x147AE15, s14;
	_ =	sdelay $0x1  }
0x21: {  	s15 =	smul.u32 @!p1 $0xC8, s15  }
0x22: {  	s16 =	sxor.u32 @!p1 $0xFFFFFFFF, s11;
	s17 =	smul.u32 @!p1 $0xC80, s10  }
0x23: {  	s31 =	sadd.s32 $0xFFFFFFFF, s11;
	s16 =	sshll.u32 @!p1 s16, $0xD;
	s14 =	ssub.s32 @!p1 s14, s15  }
0x24: {  	s15 =	sand.u32 @!p1 $0x2000, s16;
	s16 =	sadd.s32 @!p1 s6, s17;
	s14 =	sshll.u32 @!p1 s14, $0x4  }
0x25: {  	s17 =	simm.s32 @!p1 $0x6400;
	s14 =	sadd.s32 @!p1 s14, s16;
	s16 =	simm.s32 @!p1 $0x40  }
0x26: {  	[tilespmem:s15], [sflag:$0x1] =	stream.strided.gather @!p1 [hbm4b:s14+s16], $0x2000, s17, s16, $0x38;
	[tilespmem:$0x8080] =	vst v63  }
0x27: {  	p1 =	sge.u32 s31, s5  }
.Ltmp2:
0x28: {  	_ = 	snop;
	(pc) =	sbr.rel @p1 .LBB1_5-.Ltmp2, $1  }
0x29: {  	_ =	sdelay $0x3  }
0x2a: {  	s14 =	simm.s32 $0x1  }
0x2b: {  	_ =	swait.ge [sflag:s4], $0x2000;
	s14 =	simm.s32 @!p0 $0x0  }
0x2c: {  	[sflag:s4] =	ssyncset.done $0x0;
	s15 =	sshll.u32 s14, $0xD  }
0x2d: {  	[sflag:s4] =	ssyncadd.s32 $0xFFFFE000;
	s18 =	sor.u32 $0x20, s15  }
0x2e: {  	s14 =	smul.u32 $0x8100, s14;
	v3 =	vld [tilespmem:s18+$0x10]  }
0x2f: {  	s30 =	sand.u32 $0x1, s11;
	v2 =	vld [tilespmem:s18+$0xFFFFFFF0]  }
0x30: {  	s15 =	smul.u32 $0x8100, s30;
	s14 =	sshrl.u32 s14, $0x2;
	v0 =	vld [tilespmem:s18+$0x0]  }
0x31: {  	v1 =	vld [tilespmem:s18+$0xFFFFFFE0];
	s16 =	sor.u32 $0x4000, s14  }
0x32: {  	s31 =	sshrl.u32 s15, $0x2;
	s15 =	sadd.s32 $0x0, s16  }
0x33: {  	s17 =	simm.s32 $0x4;
	s18 =	sadd.s32 $0x40, s18;
	s14 =	sor.u32 $0x4000, s31;
	[tilespmem:s15+$0x1830 ss:$0x81] =	vst.msk $0xffff, v3  }
.LBB1_3:
0x34: {  	v3 =	vld [tilespmem:s18+$0x10];
	p1 =	sne.s32 s17, $0x1FC;
	[tilespmem:s15+$0x810 ss:$0x81] =	vst.msk $0xffff, v2;
	s19 =	smov.u32 s17;
	s17 =	sadd.s32 $0x4, s17  }
.Ltmp3:
0x35: {  	v2 =	vld [tilespmem:s18+$0xFFFFFFF0];
	[tilespmem:s15+$0x1020 ss:$0x81] =	vst.msk $0xffff, v0;
	(pc) =	sbr.rel @p1 .LBB1_3-.Ltmp3, $4  }
0x36: {  	v0 =	vld [tilespmem:s18+$0x0];
	[tilespmem:s15+$0x0 ss:$0x81] =	vst.msk $0xffff, v1  }
0x37: {  	s15 =	sshra.s32 s19, $0x2;
	v1 =	vld [tilespmem:s18+$0xFFFFFFE0]  }
0x38: {  	s15 =	sadd.s32 s15, s16  }
0x39: {  	s18 =	sadd.s32 $0x40, s18;
	[tilespmem:s15+$0x1830 ss:$0x81] =	vst.msk $0xffff, v3  }
.Ltmp4:
0x3a: {  	_ = 	snop;
	(pc) =	sbr.rel .LBB1_4-.Ltmp4, $1  }
0x3b: {  	_ =	sdelay $0x3  }
.LBB1_6:
0x3c: {  	_ =	sfence.sel $0x180000  }
0x3d: {  	s2 =	simm.s32 $0x1;
	[bflag:$0x0] =	sbarrier.arrive $0xFFFF  }
0x3e: {  	s31 =	simm.s32 $0x2;
	[sflag:s2] =	ssyncpa.u1 $0x1  }
0x3f: {  	[sflag:s31] =	ssyncpa.u1 $0x1  }
0x40: {  	p0 =	sne.s32 s0, $0x0;
	_ =	strace $0x9000004A  }
0x41: {  	s0 =	sadd.s32 @!p0 $0x100000, s1;
	[bflag:$0x2] =	sbarrier.arrive $0xFFFF  }
0x42: {  	[sflag:s0] =	ssyncadd.tile.s32 @!p0 $0x1;
	_ =	shalt  }
.Lfunc_end1:
_tile_overlayer_lowered:
.L_overlay_start_2:
0x43: {  	(tag) =	ssettag $0x2  }
0x44: {  	s0 =	rddreg [dreg:$0x0];
	s2 =	stileid.u32  }
0x45: {  	s1 =	rddreg [dreg:$0x1];
	p0 =	sne.s32 s2, $0x0  }
0x46: {  	s3 =	rddreg [dreg:$0x2];
	[bflag:$0x3] =	sbarrier.arrive $0xFFFF;
	s2 =	simm.s32 @!p0 $0x1C01  }
0x47: {  	[timem:s3], [sflag:s2] =	dma.local @!p0 [hbm:s0], s1  }
0x48: {  	s0 =	simm.s32 @!p0 $0x1  }
0x49: {  	_ =	swait.ge @!p0 [sflag:s0], s1  }
0x4a: {  	s1 =	ssub.s32 @!p0 $0x0, s1;
	[sflag:s0] =	ssyncset.done @!p0 $0x0  }
0x4b: {  	[sflag:s0] =	ssyncadd.s32 @!p0 s1  }
0x4c: {  	[bflag:$0x3] =	sbarrier.arrive $0xFFFF  }
0x4d: {  	_ =	shalt  }

</sc_bundles>
